<compile_context>
chip_gen: v7x
topology: tpu7x:2x2x1
jax: 0.10.2.dev20260603
libtpu: 0.0.44.dev20260713+nightly
codegen_flags: <defaults>
</compile_context>

<pallas_src>
import functools

import jax
import jax.numpy as jnp
from jax import lax
from jax.experimental import pallas as pl
from jax.experimental.pallas import tpu as pltpu
from jax.experimental.pallas import tpu_sc as plsc

B = 1024
N = 100000
K = 200
NC = 2
NS = 16
NW = NC * NS
TOT = B * N
ELEMS_PER_W = TOT // NW
CP = 32_000
NCH = ELEMS_PER_W // CP
CHUNK = 128
NCHUNK = (B * K) // CHUNK
CH_PER_W = NCHUNK // NW
SUB = CHUNK // 16


def _scatter_body(x_hbm, idx_hbm, src_hbm, out_hbm,
                  idx_v, src_v, flat_v, shared, sem0, sem1, semo0, semo1):
    c = lax.axis_index("c")
    s = lax.axis_index("s")
    w = s * NC + c
    base = w * ELEMS_PER_W
    buf0 = shared.at[s, 0]
    buf1 = shared.at[s, 1]

    def in_sl(i):
        return x_hbm.at[pl.ds(base + i * CP, CP)]

    def out_sl(i):
        return out_hbm.at[pl.ds(base + i * CP, CP)]

    pltpu.async_copy(in_sl(0), buf0, sem0)

    pltpu.sync_copy(idx_hbm.at[w], idx_v)
    pltpu.sync_copy(src_hbm.at[w], src_v)

    cb = w * CH_PER_W

    def idx_body(j, carry):
        for k in range(SUB):
            t0 = (cb + j) * CHUNK + k * 16
            r0 = t0 // K
            rem = t0 - r0 * K
            lane = lax.iota(jnp.int32, 16)
            bump = jnp.where(lane + rem >= K, jnp.int32(N), jnp.int32(0))
            flat_v[j, k * 16:(k + 1) * 16] = (
                idx_v[j, k * 16:(k + 1) * 16] + (r0 * N + bump))
        return carry

    lax.fori_loop(0, CH_PER_W, idx_body, 0)

    def copy_body(it, carry):
        i0 = 2 * it
        pltpu.make_async_copy(in_sl(i0), buf0, sem0).wait()
        pltpu.async_copy(buf0, out_sl(i0), semo0)

        @pl.when(it > 0)
        def _():
            pltpu.make_async_copy(buf1, out_sl(i0 - 1), semo1).wait()

        pltpu.async_copy(in_sl(i0 + 1), buf1, sem1)
        pltpu.make_async_copy(in_sl(i0 + 1), buf1, sem1).wait()
        pltpu.async_copy(buf1, out_sl(i0 + 1), semo1)
        pltpu.make_async_copy(buf0, out_sl(i0), semo0).wait()

        @pl.when(it < NCH // 2 - 1)
        def _():
            pltpu.async_copy(in_sl(i0 + 2), buf0, sem0)

        return carry

    lax.fori_loop(0, NCH // 2, copy_body, 0)
    pltpu.make_async_copy(buf1, out_sl(NCH - 1), semo1).wait()

    def sc_body(j, carry):
        pltpu.sync_copy(src_v.at[j], out_hbm.at[flat_v.at[j]])
        return carry

    lax.fori_loop(0, CH_PER_W, sc_body, 0)


@jax.jit
def _scatter_op(x_flat, idx_2d, src_2d):
    mesh = plsc.VectorSubcoreMesh(core_axis_name="c", subcore_axis_name="s")
    run = pl.kernel(
        _scatter_body,
        out_type=jax.ShapeDtypeStruct((TOT,), jnp.float32),
        mesh=mesh,
        scratch_types=[
            pltpu.VMEM((CH_PER_W, CHUNK), jnp.int32),
            pltpu.VMEM((CH_PER_W, CHUNK), jnp.float32),
            pltpu.VMEM((CH_PER_W, CHUNK), jnp.int32),
            pltpu.VMEM_SHARED((NS, 2, CP), jnp.float32),
            pltpu.SemaphoreType.DMA,
            pltpu.SemaphoreType.DMA,
            pltpu.SemaphoreType.DMA,
            pltpu.SemaphoreType.DMA,
        ],
    )
    return run(x_flat, idx_2d, src_2d)


def kernel(x, indices, src):
    x_flat = jnp.reshape(x, (TOT,))
    idx_2d = jnp.reshape(indices.astype(jnp.int32), (NW, CH_PER_W, CHUNK))
    src_2d = jnp.reshape(src.astype(jnp.float32), (NW, CH_PER_W, CHUNK))
    out_flat = _scatter_op(x_flat, idx_2d, src_2d)
    return jnp.reshape(out_flat, (B, N))

# --- scband reference (transcript-rebuilt; emitter-appended) ---
"""Pipeline reference for scband-scatter-op-15994458210796 (READ-ONLY COPY).

The authoritative reference and input builder live on the scoring server;
editing this copy changes nothing except your own understanding.
"""

import jax, jax.numpy as jnp
import numpy as np


def setup_inputs(seed: int = 0) -> dict:
    key = jax.random.key(seed)
    k1, k2, k3 = jax.random.split(key, 3)
    x = jax.random.normal(k1, (1024, 100000), dtype=jnp.float32)
    indices = jax.random.randint(k2, (1024, 200), 0, 100000, dtype=jnp.int64)
    src = jax.random.normal(k3, (1024, 200), dtype=jnp.float32)
    return {"x": x, "indices": indices, "src": src}


def reference(x, indices, src):
    # torch.scatter(x, dim=1, index=indices, src=src):
    # out[i, indices[i, j]] = src[i, j]; all other positions copy x.
    B = x.shape[0]
    rows = jnp.arange(B, dtype=indices.dtype)[:, None]  # [B, 1] broadcast against [B, K]
    out = x.at[rows, indices].set(src)
    return out

if __name__ == "__main__":
    import jax
    _d = setup_inputs()
    print(jax.jit(kernel)(*tuple(_d.values())))

</pallas_src>

<mosaic_0001>
#map = affine_map<(d0, d1) -> (0)>
#map1 = affine_map<(d0, d1) -> (0, 0, 0)>
module attributes {stable_mosaic.version = 14 : i64} {
  func.func @_scatter_body(%arg0: i32, %arg1: i32, %arg2: memref<102400000xf32, #tpu.memory_space<hbm>>, %arg3: memref<32x50x128xi32, #tpu.memory_space<hbm>>, %arg4: memref<32x50x128xf32, #tpu.memory_space<hbm>>, %arg5: memref<102400000xf32, #tpu.memory_space<hbm>>, %arg6: memref<50x128xi32, #tpu.memory_space<vmem>>, %arg7: memref<50x128xf32, #tpu.memory_space<vmem>>, %arg8: memref<50x128xi32, #tpu.memory_space<vmem>>, %arg9: memref<16x2x32000xf32, #tpu.memory_space<vmem_shared>>, %arg10: memref<!tpu.dma_semaphore, #tpu.memory_space<semaphore_mem>>, %arg11: memref<!tpu.dma_semaphore, #tpu.memory_space<semaphore_mem>>, %arg12: memref<!tpu.dma_semaphore, #tpu.memory_space<semaphore_mem>>, %arg13: memref<!tpu.dma_semaphore, #tpu.memory_space<semaphore_mem>>) attributes {dimension_semantics = [#tpu.dimension_semantics<core_parallel>, #tpu.dimension_semantics<subcore_parallel>], iteration_bounds = array<i64: 2, 16>, scalar_prefetch = 0 : i64, scratch_operands = 8 : i64, tpu.core_type = #tpu.core_type<sc_vector_subcore>, window_params = [{transform_indices = #map}, {transform_indices = #map1}, {transform_indices = #map1}, {transform_indices = #map}]} {
    %mul3A = arith.constant 2 : i32
    %mul3A_0 = arith.muli %arg1, %mul3A : i32
    %add3A = arith.addi %mul3A_0, %arg0 : i32
    %mul3A_1 = arith.constant 3200000 : i32
    %mul3A_2 = arith.muli %add3A, %mul3A_1 : i32
    %add3A_3 = arith.constant 0 : i32
    %add3A_4 = arith.addi %mul3A_2, %add3A_3 : i32
    %dma_start3A = arith.constant 0 : i32
    %dma_start3A_5 = arith.constant 0 : i32
    %dma_start3A_6 = tpu.memref_slice %arg9[%arg1, %dma_start3A, %dma_start3A_5] : memref<16x2x32000xf32, #tpu.memory_space<vmem_shared>> -> memref<1x1x32000xf32, #tpu.memory_space<vmem_shared>>
    %dma_start3A_7 = tpu.memref_squeeze %dma_start3A_6 : memref<1x1x32000xf32, #tpu.memory_space<vmem_shared>> -> memref<32000xf32, #tpu.memory_space<vmem_shared>>
    %dma_start3A_8 = tpu.memref_slice %arg2[%add3A_4] : memref<102400000xf32, #tpu.memory_space<hbm>> -> memref<32000xf32, #tpu.memory_space<hbm>>
    tpu.enqueue_dma source(%dma_start3A_8 : memref<32000xf32, #tpu.memory_space<hbm>>) target(%dma_start3A_7 : memref<32000xf32, #tpu.memory_space<vmem_shared>>) target_semaphore(%arg10 : memref<!tpu.dma_semaphore, #tpu.memory_space<semaphore_mem>>)
    "tpu.region"() ({
      %run_scoped3A = tpu.sem_alloc : memref<!tpu.dma_semaphore, #tpu.memory_space<semaphore_mem>>
      %dma_start3A_36 = arith.constant 0 : i32
      %dma_start3A_37 = arith.constant 0 : i32
      %dma_start3A_38 = tpu.memref_slice %arg3[%add3A, %dma_start3A_36, %dma_start3A_37] : memref<32x50x128xi32, #tpu.memory_space<hbm>> -> memref<1x50x128xi32, #tpu.memory_space<hbm>>
      %dma_start3A_39 = tpu.memref_squeeze %dma_start3A_38 : memref<1x50x128xi32, #tpu.memory_space<hbm>> -> memref<50x128xi32, #tpu.memory_space<hbm>>
      %dma_start3A_40 = arith.constant 0 : i32
      %dma_start3A_41 = arith.constant 0 : i32
      %dma_start3A_42 = tpu.memref_slice %arg3[%add3A, %dma_start3A_40, %dma_start3A_41] : memref<32x50x128xi32, #tpu.memory_space<hbm>> -> memref<1x50x128xi32, #tpu.memory_space<hbm>>
      %dma_start3A_43 = tpu.memref_squeeze %dma_start3A_42 : memref<1x50x128xi32, #tpu.memory_space<hbm>> -> memref<50x128xi32, #tpu.memory_space<hbm>>
      tpu.enqueue_dma source(%dma_start3A_43 : memref<50x128xi32, #tpu.memory_space<hbm>>) target(%arg6 : memref<50x128xi32, #tpu.memory_space<vmem>>) target_semaphore(%run_scoped3A : memref<!tpu.dma_semaphore, #tpu.memory_space<semaphore_mem>>)
      %dma_wait3A_44 = arith.constant 0 : i32
      %dma_wait3A_45 = arith.constant 0 : i32
      %dma_wait3A_46 = tpu.memref_slice %arg3[%add3A, %dma_wait3A_44, %dma_wait3A_45] : memref<32x50x128xi32, #tpu.memory_space<hbm>> -> memref<1x50x128xi32, #tpu.memory_space<hbm>>
      %dma_wait3A_47 = tpu.memref_squeeze %dma_wait3A_46 : memref<1x50x128xi32, #tpu.memory_space<hbm>> -> memref<50x128xi32, #tpu.memory_space<hbm>>
      %dma_wait3A_48 = arith.constant 0 : i32
      %dma_wait3A_49 = arith.constant 0 : i32
      %dma_wait3A_50 = tpu.memref_slice %arg3[%add3A, %dma_wait3A_48, %dma_wait3A_49] : memref<32x50x128xi32, #tpu.memory_space<hbm>> -> memref<1x50x128xi32, #tpu.memory_space<hbm>>
      %dma_wait3A_51 = tpu.memref_squeeze %dma_wait3A_50 : memref<1x50x128xi32, #tpu.memory_space<hbm>> -> memref<50x128xi32, #tpu.memory_space<hbm>>
      tpu.wait_dma2 semaphore(%run_scoped3A : memref<!tpu.dma_semaphore, #tpu.memory_space<semaphore_mem>>) src(%dma_wait3A_51 : memref<50x128xi32, #tpu.memory_space<hbm>>) dst(%arg6 : memref<50x128xi32, #tpu.memory_space<vmem>>)
      tpu.yield
    }) : () -> ()
    "tpu.region"() ({
      %run_scoped3A = tpu.sem_alloc : memref<!tpu.dma_semaphore, #tpu.memory_space<semaphore_mem>>
      %dma_start3A_36 = arith.constant 0 : i32
      %dma_start3A_37 = arith.constant 0 : i32
      %dma_start3A_38 = tpu.memref_slice %arg4[%add3A, %dma_start3A_36, %dma_start3A_37] : memref<32x50x128xf32, #tpu.memory_space<hbm>> -> memref<1x50x128xf32, #tpu.memory_space<hbm>>
      %dma_start3A_39 = tpu.memref_squeeze %dma_start3A_38 : memref<1x50x128xf32, #tpu.memory_space<hbm>> -> memref<50x128xf32, #tpu.memory_space<hbm>>
      %dma_start3A_40 = arith.constant 0 : i32
      %dma_start3A_41 = arith.constant 0 : i32
      %dma_start3A_42 = tpu.memref_slice %arg4[%add3A, %dma_start3A_40, %dma_start3A_41] : memref<32x50x128xf32, #tpu.memory_space<hbm>> -> memref<1x50x128xf32, #tpu.memory_space<hbm>>
      %dma_start3A_43 = tpu.memref_squeeze %dma_start3A_42 : memref<1x50x128xf32, #tpu.memory_space<hbm>> -> memref<50x128xf32, #tpu.memory_space<hbm>>
      tpu.enqueue_dma source(%dma_start3A_43 : memref<50x128xf32, #tpu.memory_space<hbm>>) target(%arg7 : memref<50x128xf32, #tpu.memory_space<vmem>>) target_semaphore(%run_scoped3A : memref<!tpu.dma_semaphore, #tpu.memory_space<semaphore_mem>>)
      %dma_wait3A_44 = arith.constant 0 : i32
      %dma_wait3A_45 = arith.constant 0 : i32
      %dma_wait3A_46 = tpu.memref_slice %arg4[%add3A, %dma_wait3A_44, %dma_wait3A_45] : memref<32x50x128xf32, #tpu.memory_space<hbm>> -> memref<1x50x128xf32, #tpu.memory_space<hbm>>
      %dma_wait3A_47 = tpu.memref_squeeze %dma_wait3A_46 : memref<1x50x128xf32, #tpu.memory_space<hbm>> -> memref<50x128xf32, #tpu.memory_space<hbm>>
      %dma_wait3A_48 = arith.constant 0 : i32
      %dma_wait3A_49 = arith.constant 0 : i32
      %dma_wait3A_50 = tpu.memref_slice %arg4[%add3A, %dma_wait3A_48, %dma_wait3A_49] : memref<32x50x128xf32, #tpu.memory_space<hbm>> -> memref<1x50x128xf32, #tpu.memory_space<hbm>>
      %dma_wait3A_51 = tpu.memref_squeeze %dma_wait3A_50 : memref<1x50x128xf32, #tpu.memory_space<hbm>> -> memref<50x128xf32, #tpu.memory_space<hbm>>
      tpu.wait_dma2 semaphore(%run_scoped3A : memref<!tpu.dma_semaphore, #tpu.memory_space<semaphore_mem>>) src(%dma_wait3A_51 : memref<50x128xf32, #tpu.memory_space<hbm>>) dst(%arg7 : memref<50x128xf32, #tpu.memory_space<vmem>>)
      tpu.yield
    }) : () -> ()
    %mul3A_9 = arith.constant 50 : i32
    %mul3A_10 = arith.muli %add3A, %mul3A_9 : i32
    %scan3A = arith.constant 0 : i32
    %scan3A_11 = arith.constant 0 : i32
    %scan3A_12 = arith.constant 50 : i32
    %scan3A_13 = arith.addi %scan3A_11, %scan3A_12 : i32
    %scan3A_14 = arith.constant 1 : i32
    scf.for %scan3A_36 = %scan3A_11 to %scan3A_13 step %scan3A_14  : i32 {
      %add3A_37 = arith.addi %mul3A_10, %scan3A_36 : i32
      %mul3A_38 = arith.constant 128 : i32
      %mul3A_39 = arith.muli %add3A_37, %mul3A_38 : i32
      %add3A_40 = arith.constant 0 : i32
      %add3A_41 = arith.addi %mul3A_39, %add3A_40 : i32
      %jit3A = arith.constant 200 : i32
      %div3A = arith.divsi %add3A_41, %jit3A : i32
      %sign3A = arith.constant 0 : i32
      %sign3A_42 = arith.cmpi sgt, %add3A_41, %sign3A : i32
      %sign3A_43 = arith.extui %sign3A_42 : i1 to i32
      %sign3A_44 = arith.constant 0 : i32
      %sign3A_45 = arith.cmpi slt, %add3A_41, %sign3A_44 : i32
      %sign3A_46 = arith.extui %sign3A_45 : i1 to i32
      %sign3A_47 = arith.subi %sign3A_43, %sign3A_46 : i32
      %sign3A_48 = arith.constant 0 : i32
      %sign3A_49 = arith.cmpi sgt, %jit3A, %sign3A_48 : i32
      %sign3A_50 = arith.extui %sign3A_49 : i1 to i32
      %sign3A_51 = arith.constant 0 : i32
      %sign3A_52 = arith.cmpi slt, %jit3A, %sign3A_51 : i32
      %sign3A_53 = arith.extui %sign3A_52 : i1 to i32
      %sign3A_54 = arith.subi %sign3A_50, %sign3A_53 : i32
      %ne3A = arith.cmpi ne, %sign3A_47, %sign3A_54 : i32
      %rem3A = arith.remsi %add3A_41, %jit3A : i32
      %ne3A_55 = arith.constant 0 : i32
      %ne3A_56 = arith.cmpi ne, %rem3A, %ne3A_55 : i32
      %and3A = arith.andi %ne3A, %ne3A_56 : i1
      %sub3A = arith.constant 1 : i32
      %sub3A_57 = arith.subi %div3A, %sub3A : i32
      %select_n3A = arith.select %and3A, %sub3A_57, %div3A : i32
      %mul3A_58 = arith.constant 200 : i32
      %mul3A_59 = arith.muli %select_n3A, %mul3A_58 : i32
      %sub3A_60 = arith.subi %add3A_41, %mul3A_59 : i32
      %iota3A = tpu.iota {dimensions = array<i32: 0>} : vector<16xi32>
      %add3A_61 = vector.broadcast %sub3A_60 : i32 to vector<16xi32>
      %add3A_62 = arith.addi %iota3A, %add3A_61 : vector<16xi32>
      %ge3A = arith.constant 200 : i32
      %ge3A_63 = vector.broadcast %ge3A : i32 to vector<16xi32>
      %ge3A_64 = arith.cmpi sge, %add3A_62, %ge3A_63 : vector<16xi32>
      %jit3A_65 = arith.constant 100000 : i32
      %jit3A_66 = arith.constant 0 : i32
      %broadcast_in_dim3A = vector.broadcast %jit3A_65 : i32 to vector<16xi32>
      %broadcast_in_dim3A_67 = vector.broadcast %jit3A_66 : i32 to vector<16xi32>
      %select_n3A_68 = arith.select %ge3A_64, %broadcast_in_dim3A, %broadcast_in_dim3A_67 : vector<16xi1>, vector<16xi32>
      %get3A = arith.index_cast %scan3A_36 : i32 to index
      %get3A_69 = arith.constant 0 : index
      %get3A_70 = tpu.vector_load %arg6[%get3A, %get3A_69] {strides = array<i32>} : memref<50x128xi32, #tpu.memory_space<vmem>>, vector<1x16xi32>,
      %get3A_71 = vector.shape_cast %get3A_70 : vector<1x16xi32> to vector<16xi32>
      %mul3A_72 = arith.constant 100000 : i32
      %mul3A_73 = arith.muli %select_n3A, %mul3A_72 : i32
      %add3A_74 = vector.broadcast %mul3A_73 : i32 to vector<16xi32>
      %add3A_75 = arith.addi %add3A_74, %select_n3A_68 : vector<16xi32>
      %add3A_76 = arith.addi %get3A_71, %add3A_75 : vector<16xi32>
      %swap3A = arith.index_cast %scan3A_36 : i32 to index
      %swap3A_77 = arith.constant 0 : index
      %swap3A_78 = tpu.vector_load %arg8[%swap3A, %swap3A_77] {strides = array<i32>} : memref<50x128xi32, #tpu.memory_space<vmem>>, vector<1x16xi32>,
      %swap3A_79 = vector.shape_cast %swap3A_78 : vector<1x16xi32> to vector<16xi32>
      %swap3A_80 = vector.shape_cast %add3A_76 : vector<16xi32> to vector<1x16xi32>
      tpu.vector_store %arg8[%swap3A, %swap3A_77], %swap3A_80 {strides = array<i32>} : memref<50x128xi32, #tpu.memory_space<vmem>>, vector<1x16xi32>,
      %add3A_81 = arith.addi %mul3A_10, %scan3A_36 : i32
      %mul3A_82 = arith.constant 128 : i32
      %mul3A_83 = arith.muli %add3A_81, %mul3A_82 : i32
      %add3A_84 = arith.constant 16 : i32
      %add3A_85 = arith.addi %mul3A_83, %add3A_84 : i32
      %jit3A_86 = arith.constant 200 : i32
      %div3A_87 = arith.divsi %add3A_85, %jit3A_86 : i32
      %sign3A_88 = arith.constant 0 : i32
      %sign3A_89 = arith.cmpi sgt, %add3A_85, %sign3A_88 : i32
      %sign3A_90 = arith.extui %sign3A_89 : i1 to i32
      %sign3A_91 = arith.constant 0 : i32
      %sign3A_92 = arith.cmpi slt, %add3A_85, %sign3A_91 : i32
      %sign3A_93 = arith.extui %sign3A_92 : i1 to i32
      %sign3A_94 = arith.subi %sign3A_90, %sign3A_93 : i32
      %sign3A_95 = arith.constant 0 : i32
      %sign3A_96 = arith.cmpi sgt, %jit3A_86, %sign3A_95 : i32
      %sign3A_97 = arith.extui %sign3A_96 : i1 to i32
      %sign3A_98 = arith.constant 0 : i32
      %sign3A_99 = arith.cmpi slt, %jit3A_86, %sign3A_98 : i32
      %sign3A_100 = arith.extui %sign3A_99 : i1 to i32
      %sign3A_101 = arith.subi %sign3A_97, %sign3A_100 : i32
      %ne3A_102 = arith.cmpi ne, %sign3A_94, %sign3A_101 : i32
      %rem3A_103 = arith.remsi %add3A_85, %jit3A_86 : i32
      %ne3A_104 = arith.constant 0 : i32
      %ne3A_105 = arith.cmpi ne, %rem3A_103, %ne3A_104 : i32
      %and3A_106 = arith.andi %ne3A_102, %ne3A_105 : i1
      %sub3A_107 = arith.constant 1 : i32
      %sub3A_108 = arith.subi %div3A_87, %sub3A_107 : i32
      %select_n3A_109 = arith.select %and3A_106, %sub3A_108, %div3A_87 : i32
      %mul3A_110 = arith.constant 200 : i32
      %mul3A_111 = arith.muli %select_n3A_109, %mul3A_110 : i32
      %sub3A_112 = arith.subi %add3A_85, %mul3A_111 : i32
      %iota3A_113 = tpu.iota {dimensions = array<i32: 0>} : vector<16xi32>
      %add3A_114 = vector.broadcast %sub3A_112 : i32 to vector<16xi32>
      %add3A_115 = arith.addi %iota3A_113, %add3A_114 : vector<16xi32>
      %ge3A_116 = arith.constant 200 : i32
      %ge3A_117 = vector.broadcast %ge3A_116 : i32 to vector<16xi32>
      %ge3A_118 = arith.cmpi sge, %add3A_115, %ge3A_117 : vector<16xi32>
      %jit3A_119 = arith.constant 100000 : i32
      %jit3A_120 = arith.constant 0 : i32
      %broadcast_in_dim3A_121 = vector.broadcast %jit3A_119 : i32 to vector<16xi32>
      %broadcast_in_dim3A_122 = vector.broadcast %jit3A_120 : i32 to vector<16xi32>
      %select_n3A_123 = arith.select %ge3A_118, %broadcast_in_dim3A_121, %broadcast_in_dim3A_122 : vector<16xi1>, vector<16xi32>
      %get3A_124 = arith.index_cast %scan3A_36 : i32 to index
      %get3A_125 = arith.constant 16 : index
      %get3A_126 = tpu.vector_load %arg6[%get3A_124, %get3A_125] {strides = array<i32>} : memref<50x128xi32, #tpu.memory_space<vmem>>, vector<1x16xi32>,
      %get3A_127 = vector.shape_cast %get3A_126 : vector<1x16xi32> to vector<16xi32>
      %mul3A_128 = arith.constant 100000 : i32
      %mul3A_129 = arith.muli %select_n3A_109, %mul3A_128 : i32
      %add3A_130 = vector.broadcast %mul3A_129 : i32 to vector<16xi32>
      %add3A_131 = arith.addi %add3A_130, %select_n3A_123 : vector<16xi32>
      %add3A_132 = arith.addi %get3A_127, %add3A_131 : vector<16xi32>
      %swap3A_133 = arith.index_cast %scan3A_36 : i32 to index
      %swap3A_134 = arith.constant 16 : index
      %swap3A_135 = tpu.vector_load %arg8[%swap3A_133, %swap3A_134] {strides = array<i32>} : memref<50x128xi32, #tpu.memory_space<vmem>>, vector<1x16xi32>,
      %swap3A_136 = vector.shape_cast %swap3A_135 : vector<1x16xi32> to vector<16xi32>
      %swap3A_137 = vector.shape_cast %add3A_132 : vector<16xi32> to vector<1x16xi32>
      tpu.vector_store %arg8[%swap3A_133, %swap3A_134], %swap3A_137 {strides = array<i32>} : memref<50x128xi32, #tpu.memory_space<vmem>>, vector<1x16xi32>,
      %add3A_138 = arith.addi %mul3A_10, %scan3A_36 : i32
      %mul3A_139 = arith.constant 128 : i32
      %mul3A_140 = arith.muli %add3A_138, %mul3A_139 : i32
      %add3A_141 = arith.constant 32 : i32
      %add3A_142 = arith.addi %mul3A_140, %add3A_141 : i32
      %jit3A_143 = arith.constant 200 : i32
      %div3A_144 = arith.divsi %add3A_142, %jit3A_143 : i32
      %sign3A_145 = arith.constant 0 : i32
      %sign3A_146 = arith.cmpi sgt, %add3A_142, %sign3A_145 : i32
      %sign3A_147 = arith.extui %sign3A_146 : i1 to i32
      %sign3A_148 = arith.constant 0 : i32
      %sign3A_149 = arith.cmpi slt, %add3A_142, %sign3A_148 : i32
      %sign3A_150 = arith.extui %sign3A_149 : i1 to i32
      %sign3A_151 = arith.subi %sign3A_147, %sign3A_150 : i32
      %sign3A_152 = arith.constant 0 : i32
      %sign3A_153 = arith.cmpi sgt, %jit3A_143, %sign3A_152 : i32
      %sign3A_154 = arith.extui %sign3A_153 : i1 to i32
      %sign3A_155 = arith.constant 0 : i32
      %sign3A_156 = arith.cmpi slt, %jit3A_143, %sign3A_155 : i32
      %sign3A_157 = arith.extui %sign3A_156 : i1 to i32
      %sign3A_158 = arith.subi %sign3A_154, %sign3A_157 : i32
      %ne3A_159 = arith.cmpi ne, %sign3A_151, %sign3A_158 : i32
      %rem3A_160 = arith.remsi %add3A_142, %jit3A_143 : i32
      %ne3A_161 = arith.constant 0 : i32
      %ne3A_162 = arith.cmpi ne, %rem3A_160, %ne3A_161 : i32
      %and3A_163 = arith.andi %ne3A_159, %ne3A_162 : i1
      %sub3A_164 = arith.constant 1 : i32
      %sub3A_165 = arith.subi %div3A_144, %sub3A_164 : i32
      %select_n3A_166 = arith.select %and3A_163, %sub3A_165, %div3A_144 : i32
      %mul3A_167 = arith.constant 200 : i32
      %mul3A_168 = arith.muli %select_n3A_166, %mul3A_167 : i32
      %sub3A_169 = arith.subi %add3A_142, %mul3A_168 : i32
      %iota3A_170 = tpu.iota {dimensions = array<i32: 0>} : vector<16xi32>
      %add3A_171 = vector.broadcast %sub3A_169 : i32 to vector<16xi32>
      %add3A_172 = arith.addi %iota3A_170, %add3A_171 : vector<16xi32>
      %ge3A_173 = arith.constant 200 : i32
      %ge3A_174 = vector.broadcast %ge3A_173 : i32 to vector<16xi32>
      %ge3A_175 = arith.cmpi sge, %add3A_172, %ge3A_174 : vector<16xi32>
      %jit3A_176 = arith.constant 100000 : i32
      %jit3A_177 = arith.constant 0 : i32
      %broadcast_in_dim3A_178 = vector.broadcast %jit3A_176 : i32 to vector<16xi32>
      %broadcast_in_dim3A_179 = vector.broadcast %jit3A_177 : i32 to vector<16xi32>
      %select_n3A_180 = arith.select %ge3A_175, %broadcast_in_dim3A_178, %broadcast_in_dim3A_179 : vector<16xi1>, vector<16xi32>
      %get3A_181 = arith.index_cast %scan3A_36 : i32 to index
      %get3A_182 = arith.constant 32 : index
      %get3A_183 = tpu.vector_load %arg6[%get3A_181, %get3A_182] {strides = array<i32>} : memref<50x128xi32, #tpu.memory_space<vmem>>, vector<1x16xi32>,
      %get3A_184 = vector.shape_cast %get3A_183 : vector<1x16xi32> to vector<16xi32>
      %mul3A_185 = arith.constant 100000 : i32
      %mul3A_186 = arith.muli %select_n3A_166, %mul3A_185 : i32
      %add3A_187 = vector.broadcast %mul3A_186 : i32 to vector<16xi32>
      %add3A_188 = arith.addi %add3A_187, %select_n3A_180 : vector<16xi32>
      %add3A_189 = arith.addi %get3A_184, %add3A_188 : vector<16xi32>
      %swap3A_190 = arith.index_cast %scan3A_36 : i32 to index
      %swap3A_191 = arith.constant 32 : index
      %swap3A_192 = tpu.vector_load %arg8[%swap3A_190, %swap3A_191] {strides = array<i32>} : memref<50x128xi32, #tpu.memory_space<vmem>>, vector<1x16xi32>,
      %swap3A_193 = vector.shape_cast %swap3A_192 : vector<1x16xi32> to vector<16xi32>
      %swap3A_194 = vector.shape_cast %add3A_189 : vector<16xi32> to vector<1x16xi32>
      tpu.vector_store %arg8[%swap3A_190, %swap3A_191], %swap3A_194 {strides = array<i32>} : memref<50x128xi32, #tpu.memory_space<vmem>>, vector<1x16xi32>,
      %add3A_195 = arith.addi %mul3A_10, %scan3A_36 : i32
      %mul3A_196 = arith.constant 128 : i32
      %mul3A_197 = arith.muli %add3A_195, %mul3A_196 : i32
      %add3A_198 = arith.constant 48 : i32
      %add3A_199 = arith.addi %mul3A_197, %add3A_198 : i32
      %jit3A_200 = arith.constant 200 : i32
      %div3A_201 = arith.divsi %add3A_199, %jit3A_200 : i32
      %sign3A_202 = arith.constant 0 : i32
      %sign3A_203 = arith.cmpi sgt, %add3A_199, %sign3A_202 : i32
      %sign3A_204 = arith.extui %sign3A_203 : i1 to i32
      %sign3A_205 = arith.constant 0 : i32
      %sign3A_206 = arith.cmpi slt, %add3A_199, %sign3A_205 : i32
      %sign3A_207 = arith.extui %sign3A_206 : i1 to i32
      %sign3A_208 = arith.subi %sign3A_204, %sign3A_207 : i32
      %sign3A_209 = arith.constant 0 : i32
      %sign3A_210 = arith.cmpi sgt, %jit3A_200, %sign3A_209 : i32
      %sign3A_211 = arith.extui %sign3A_210 : i1 to i32
      %sign3A_212 = arith.constant 0 : i32
      %sign3A_213 = arith.cmpi slt, %jit3A_200, %sign3A_212 : i32
      %sign3A_214 = arith.extui %sign3A_213 : i1 to i32
      %sign3A_215 = arith.subi %sign3A_211, %sign3A_214 : i32
      %ne3A_216 = arith.cmpi ne, %sign3A_208, %sign3A_215 : i32
      %rem3A_217 = arith.remsi %add3A_199, %jit3A_200 : i32
      %ne3A_218 = arith.constant 0 : i32
      %ne3A_219 = arith.cmpi ne, %rem3A_217, %ne3A_218 : i32
      %and3A_220 = arith.andi %ne3A_216, %ne3A_219 : i1
      %sub3A_221 = arith.constant 1 : i32
      %sub3A_222 = arith.subi %div3A_201, %sub3A_221 : i32
      %select_n3A_223 = arith.select %and3A_220, %sub3A_222, %div3A_201 : i32
      %mul3A_224 = arith.constant 200 : i32
      %mul3A_225 = arith.muli %select_n3A_223, %mul3A_224 : i32
      %sub3A_226 = arith.subi %add3A_199, %mul3A_225 : i32
      %iota3A_227 = tpu.iota {dimensions = array<i32: 0>} : vector<16xi32>
      %add3A_228 = vector.broadcast %sub3A_226 : i32 to vector<16xi32>
      %add3A_229 = arith.addi %iota3A_227, %add3A_228 : vector<16xi32>
      %ge3A_230 = arith.constant 200 : i32
      %ge3A_231 = vector.broadcast %ge3A_230 : i32 to vector<16xi32>
      %ge3A_232 = arith.cmpi sge, %add3A_229, %ge3A_231 : vector<16xi32>
      %jit3A_233 = arith.constant 100000 : i32
      %jit3A_234 = arith.constant 0 : i32
      %broadcast_in_dim3A_235 = vector.broadcast %jit3A_233 : i32 to vector<16xi32>
      %broadcast_in_dim3A_236 = vector.broadcast %jit3A_234 : i32 to vector<16xi32>
      %select_n3A_237 = arith.select %ge3A_232, %broadcast_in_dim3A_235, %broadcast_in_dim3A_236 : vector<16xi1>, vector<16xi32>
      %get3A_238 = arith.index_cast %scan3A_36 : i32 to index
      %get3A_239 = arith.constant 48 : index
      %get3A_240 = tpu.vector_load %arg6[%get3A_238, %get3A_239] {strides = array<i32>} : memref<50x128xi32, #tpu.memory_space<vmem>>, vector<1x16xi32>,
      %get3A_241 = vector.shape_cast %get3A_240 : vector<1x16xi32> to vector<16xi32>
      %mul3A_242 = arith.constant 100000 : i32
      %mul3A_243 = arith.muli %select_n3A_223, %mul3A_242 : i32
      %add3A_244 = vector.broadcast %mul3A_243 : i32 to vector<16xi32>
      %add3A_245 = arith.addi %add3A_244, %select_n3A_237 : vector<16xi32>
      %add3A_246 = arith.addi %get3A_241, %add3A_245 : vector<16xi32>
      %swap3A_247 = arith.index_cast %scan3A_36 : i32 to index
      %swap3A_248 = arith.constant 48 : index
      %swap3A_249 = tpu.vector_load %arg8[%swap3A_247, %swap3A_248] {strides = array<i32>} : memref<50x128xi32, #tpu.memory_space<vmem>>, vector<1x16xi32>,
      %swap3A_250 = vector.shape_cast %swap3A_249 : vector<1x16xi32> to vector<16xi32>
      %swap3A_251 = vector.shape_cast %add3A_246 : vector<16xi32> to vector<1x16xi32>
      tpu.vector_store %arg8[%swap3A_247, %swap3A_248], %swap3A_251 {strides = array<i32>} : memref<50x128xi32, #tpu.memory_space<vmem>>, vector<1x16xi32>,
      %add3A_252 = arith.addi %mul3A_10, %scan3A_36 : i32
      %mul3A_253 = arith.constant 128 : i32
      %mul3A_254 = arith.muli %add3A_252, %mul3A_253 : i32
      %add3A_255 = arith.constant 64 : i32
      %add3A_256 = arith.addi %mul3A_254, %add3A_255 : i32
      %jit3A_257 = arith.constant 200 : i32
      %div3A_258 = arith.divsi %add3A_256, %jit3A_257 : i32
      %sign3A_259 = arith.constant 0 : i32
      %sign3A_260 = arith.cmpi sgt, %add3A_256, %sign3A_259 : i32
      %sign3A_261 = arith.extui %sign3A_260 : i1 to i32
      %sign3A_262 = arith.constant 0 : i32
      %sign3A_263 = arith.cmpi slt, %add3A_256, %sign3A_262 : i32
      %sign3A_264 = arith.extui %sign3A_263 : i1 to i32
      %sign3A_265 = arith.subi %sign3A_261, %sign3A_264 : i32
      %sign3A_266 = arith.constant 0 : i32
      %sign3A_267 = arith.cmpi sgt, %jit3A_257, %sign3A_266 : i32
      %sign3A_268 = arith.extui %sign3A_267 : i1 to i32
      %sign3A_269 = arith.constant 0 : i32
      %sign3A_270 = arith.cmpi slt, %jit3A_257, %sign3A_269 : i32
      %sign3A_271 = arith.extui %sign3A_270 : i1 to i32
      %sign3A_272 = arith.subi %sign3A_268, %sign3A_271 : i32
      %ne3A_273 = arith.cmpi ne, %sign3A_265, %sign3A_272 : i32
      %rem3A_274 = arith.remsi %add3A_256, %jit3A_257 : i32
      %ne3A_275 = arith.constant 0 : i32
      %ne3A_276 = arith.cmpi ne, %rem3A_274, %ne3A_275 : i32
      %and3A_277 = arith.andi %ne3A_273, %ne3A_276 : i1
      %sub3A_278 = arith.constant 1 : i32
      %sub3A_279 = arith.subi %div3A_258, %sub3A_278 : i32
      %select_n3A_280 = arith.select %and3A_277, %sub3A_279, %div3A_258 : i32
      %mul3A_281 = arith.constant 200 : i32
      %mul3A_282 = arith.muli %select_n3A_280, %mul3A_281 : i32
      %sub3A_283 = arith.subi %add3A_256, %mul3A_282 : i32
      %iota3A_284 = tpu.iota {dimensions = array<i32: 0>} : vector<16xi32>
      %add3A_285 = vector.broadcast %sub3A_283 : i32 to vector<16xi32>
      %add3A_286 = arith.addi %iota3A_284, %add3A_285 : vector<16xi32>
      %ge3A_287 = arith.constant 200 : i32
      %ge3A_288 = vector.broadcast %ge3A_287 : i32 to vector<16xi32>
      %ge3A_289 = arith.cmpi sge, %add3A_286, %ge3A_288 : vector<16xi32>
      %jit3A_290 = arith.constant 100000 : i32
      %jit3A_291 = arith.constant 0 : i32
      %broadcast_in_dim3A_292 = vector.broadcast %jit3A_290 : i32 to vector<16xi32>
      %broadcast_in_dim3A_293 = vector.broadcast %jit3A_291 : i32 to vector<16xi32>
      %select_n3A_294 = arith.select %ge3A_289, %broadcast_in_dim3A_292, %broadcast_in_dim3A_293 : vector<16xi1>, vector<16xi32>
      %get3A_295 = arith.index_cast %scan3A_36 : i32 to index
      %get3A_296 = arith.constant 64 : index
      %get3A_297 = tpu.vector_load %arg6[%get3A_295, %get3A_296] {strides = array<i32>} : memref<50x128xi32, #tpu.memory_space<vmem>>, vector<1x16xi32>,
      %get3A_298 = vector.shape_cast %get3A_297 : vector<1x16xi32> to vector<16xi32>
      %mul3A_299 = arith.constant 100000 : i32
      %mul3A_300 = arith.muli %select_n3A_280, %mul3A_299 : i32
      %add3A_301 = vector.broadcast %mul3A_300 : i32 to vector<16xi32>
      %add3A_302 = arith.addi %add3A_301, %select_n3A_294 : vector<16xi32>
      %add3A_303 = arith.addi %get3A_298, %add3A_302 : vector<16xi32>
      %swap3A_304 = arith.index_cast %scan3A_36 : i32 to index
      %swap3A_305 = arith.constant 64 : index
      %swap3A_306 = tpu.vector_load %arg8[%swap3A_304, %swap3A_305] {strides = array<i32>} : memref<50x128xi32, #tpu.memory_space<vmem>>, vector<1x16xi32>,
      %swap3A_307 = vector.shape_cast %swap3A_306 : vector<1x16xi32> to vector<16xi32>
      %swap3A_308 = vector.shape_cast %add3A_303 : vector<16xi32> to vector<1x16xi32>
      tpu.vector_store %arg8[%swap3A_304, %swap3A_305], %swap3A_308 {strides = array<i32>} : memref<50x128xi32, #tpu.memory_space<vmem>>, vector<1x16xi32>,
      %add3A_309 = arith.addi %mul3A_10, %scan3A_36 : i32
      %mul3A_310 = arith.constant 128 : i32
      %mul3A_311 = arith.muli %add3A_309, %mul3A_310 : i32
      %add3A_312 = arith.constant 80 : i32
      %add3A_313 = arith.addi %mul3A_311, %add3A_312 : i32
      %jit3A_314 = arith.constant 200 : i32
      %div3A_315 = arith.divsi %add3A_313, %jit3A_314 : i32
      %sign3A_316 = arith.constant 0 : i32
      %sign3A_317 = arith.cmpi sgt, %add3A_313, %sign3A_316 : i32
      %sign3A_318 = arith.extui %sign3A_317 : i1 to i32
      %sign3A_319 = arith.constant 0 : i32
      %sign3A_320 = arith.cmpi slt, %add3A_313, %sign3A_319 : i32
      %sign3A_321 = arith.extui %sign3A_320 : i1 to i32
      %sign3A_322 = arith.subi %sign3A_318, %sign3A_321 : i32
      %sign3A_323 = arith.constant 0 : i32
      %sign3A_324 = arith.cmpi sgt, %jit3A_314, %sign3A_323 : i32
      %sign3A_325 = arith.extui %sign3A_324 : i1 to i32
      %sign3A_326 = arith.constant 0 : i32
      %sign3A_327 = arith.cmpi slt, %jit3A_314, %sign3A_326 : i32
      %sign3A_328 = arith.extui %sign3A_327 : i1 to i32
      %sign3A_329 = arith.subi %sign3A_325, %sign3A_328 : i32
      %ne3A_330 = arith.cmpi ne, %sign3A_322, %sign3A_329 : i32
      %rem3A_331 = arith.remsi %add3A_313, %jit3A_314 : i32
      %ne3A_332 = arith.constant 0 : i32
      %ne3A_333 = arith.cmpi ne, %rem3A_331, %ne3A_332 : i32
      %and3A_334 = arith.andi %ne3A_330, %ne3A_333 : i1
      %sub3A_335 = arith.constant 1 : i32
      %sub3A_336 = arith.subi %div3A_315, %sub3A_335 : i32
      %select_n3A_337 = arith.select %and3A_334, %sub3A_336, %div3A_315 : i32
      %mul3A_338 = arith.constant 200 : i32
      %mul3A_339 = arith.muli %select_n3A_337, %mul3A_338 : i32
      %sub3A_340 = arith.subi %add3A_313, %mul3A_339 : i32
      %iota3A_341 = tpu.iota {dimensions = array<i32: 0>} : vector<16xi32>
      %add3A_342 = vector.broadcast %sub3A_340 : i32 to vector<16xi32>
      %add3A_343 = arith.addi %iota3A_341, %add3A_342 : vector<16xi32>
      %ge3A_344 = arith.constant 200 : i32
      %ge3A_345 = vector.broadcast %ge3A_344 : i32 to vector<16xi32>
      %ge3A_346 = arith.cmpi sge, %add3A_343, %ge3A_345 : vector<16xi32>
      %jit3A_347 = arith.constant 100000 : i32
      %jit3A_348 = arith.constant 0 : i32
      %broadcast_in_dim3A_349 = vector.broadcast %jit3A_347 : i32 to vector<16xi32>
      %broadcast_in_dim3A_350 = vector.broadcast %jit3A_348 : i32 to vector<16xi32>
      %select_n3A_351 = arith.select %ge3A_346, %broadcast_in_dim3A_349, %broadcast_in_dim3A_350 : vector<16xi1>, vector<16xi32>
      %get3A_352 = arith.index_cast %scan3A_36 : i32 to index
      %get3A_353 = arith.constant 80 : index
      %get3A_354 = tpu.vector_load %arg6[%get3A_352, %get3A_353] {strides = array<i32>} : memref<50x128xi32, #tpu.memory_space<vmem>>, vector<1x16xi32>,
      %get3A_355 = vector.shape_cast %get3A_354 : vector<1x16xi32> to vector<16xi32>
      %mul3A_356 = arith.constant 100000 : i32
      %mul3A_357 = arith.muli %select_n3A_337, %mul3A_356 : i32
      %add3A_358 = vector.broadcast %mul3A_357 : i32 to vector<16xi32>
      %add3A_359 = arith.addi %add3A_358, %select_n3A_351 : vector<16xi32>
      %add3A_360 = arith.addi %get3A_355, %add3A_359 : vector<16xi32>
      %swap3A_361 = arith.index_cast %scan3A_36 : i32 to index
      %swap3A_362 = arith.constant 80 : index
      %swap3A_363 = tpu.vector_load %arg8[%swap3A_361, %swap3A_362] {strides = array<i32>} : memref<50x128xi32, #tpu.memory_space<vmem>>, vector<1x16xi32>,
      %swap3A_364 = vector.shape_cast %swap3A_363 : vector<1x16xi32> to vector<16xi32>
      %swap3A_365 = vector.shape_cast %add3A_360 : vector<16xi32> to vector<1x16xi32>
      tpu.vector_store %arg8[%swap3A_361, %swap3A_362], %swap3A_365 {strides = array<i32>} : memref<50x128xi32, #tpu.memory_space<vmem>>, vector<1x16xi32>,
      %add3A_366 = arith.addi %mul3A_10, %scan3A_36 : i32
      %mul3A_367 = arith.constant 128 : i32
      %mul3A_368 = arith.muli %add3A_366, %mul3A_367 : i32
      %add3A_369 = arith.constant 96 : i32
      %add3A_370 = arith.addi %mul3A_368, %add3A_369 : i32
      %jit3A_371 = arith.constant 200 : i32
      %div3A_372 = arith.divsi %add3A_370, %jit3A_371 : i32
      %sign3A_373 = arith.constant 0 : i32
      %sign3A_374 = arith.cmpi sgt, %add3A_370, %sign3A_373 : i32
      %sign3A_375 = arith.extui %sign3A_374 : i1 to i32
      %sign3A_376 = arith.constant 0 : i32
      %sign3A_377 = arith.cmpi slt, %add3A_370, %sign3A_376 : i32
      %sign3A_378 = arith.extui %sign3A_377 : i1 to i32
      %sign3A_379 = arith.subi %sign3A_375, %sign3A_378 : i32
      %sign3A_380 = arith.constant 0 : i32
      %sign3A_381 = arith.cmpi sgt, %jit3A_371, %sign3A_380 : i32
      %sign3A_382 = arith.extui %sign3A_381 : i1 to i32
      %sign3A_383 = arith.constant 0 : i32
      %sign3A_384 = arith.cmpi slt, %jit3A_371, %sign3A_383 : i32
      %sign3A_385 = arith.extui %sign3A_384 : i1 to i32
      %sign3A_386 = arith.subi %sign3A_382, %sign3A_385 : i32
      %ne3A_387 = arith.cmpi ne, %sign3A_379, %sign3A_386 : i32
      %rem3A_388 = arith.remsi %add3A_370, %jit3A_371 : i32
      %ne3A_389 = arith.constant 0 : i32
      %ne3A_390 = arith.cmpi ne, %rem3A_388, %ne3A_389 : i32
      %and3A_391 = arith.andi %ne3A_387, %ne3A_390 : i1
      %sub3A_392 = arith.constant 1 : i32
      %sub3A_393 = arith.subi %div3A_372, %sub3A_392 : i32
      %select_n3A_394 = arith.select %and3A_391, %sub3A_393, %div3A_372 : i32
      %mul3A_395 = arith.constant 200 : i32
      %mul3A_396 = arith.muli %select_n3A_394, %mul3A_395 : i32
      %sub3A_397 = arith.subi %add3A_370, %mul3A_396 : i32
      %iota3A_398 = tpu.iota {dimensions = array<i32: 0>} : vector<16xi32>
      %add3A_399 = vector.broadcast %sub3A_397 : i32 to vector<16xi32>
      %add3A_400 = arith.addi %iota3A_398, %add3A_399 : vector<16xi32>
      %ge3A_401 = arith.constant 200 : i32
      %ge3A_402 = vector.broadcast %ge3A_401 : i32 to vector<16xi32>
      %ge3A_403 = arith.cmpi sge, %add3A_400, %ge3A_402 : vector<16xi32>
      %jit3A_404 = arith.constant 100000 : i32
      %jit3A_405 = arith.constant 0 : i32
      %broadcast_in_dim3A_406 = vector.broadcast %jit3A_404 : i32 to vector<16xi32>
      %broadcast_in_dim3A_407 = vector.broadcast %jit3A_405 : i32 to vector<16xi32>
      %select_n3A_408 = arith.select %ge3A_403, %broadcast_in_dim3A_406, %broadcast_in_dim3A_407 : vector<16xi1>, vector<16xi32>
      %get3A_409 = arith.index_cast %scan3A_36 : i32 to index
      %get3A_410 = arith.constant 96 : index
      %get3A_411 = tpu.vector_load %arg6[%get3A_409, %get3A_410] {strides = array<i32>} : memref<50x128xi32, #tpu.memory_space<vmem>>, vector<1x16xi32>,
      %get3A_412 = vector.shape_cast %get3A_411 : vector<1x16xi32> to vector<16xi32>
      %mul3A_413 = arith.constant 100000 : i32
      %mul3A_414 = arith.muli %select_n3A_394, %mul3A_413 : i32
      %add3A_415 = vector.broadcast %mul3A_414 : i32 to vector<16xi32>
      %add3A_416 = arith.addi %add3A_415, %select_n3A_408 : vector<16xi32>
      %add3A_417 = arith.addi %get3A_412, %add3A_416 : vector<16xi32>
      %swap3A_418 = arith.index_cast %scan3A_36 : i32 to index
      %swap3A_419 = arith.constant 96 : index
      %swap3A_420 = tpu.vector_load %arg8[%swap3A_418, %swap3A_419] {strides = array<i32>} : memref<50x128xi32, #tpu.memory_space<vmem>>, vector<1x16xi32>,
      %swap3A_421 = vector.shape_cast %swap3A_420 : vector<1x16xi32> to vector<16xi32>
      %swap3A_422 = vector.shape_cast %add3A_417 : vector<16xi32> to vector<1x16xi32>
      tpu.vector_store %arg8[%swap3A_418, %swap3A_419], %swap3A_422 {strides = array<i32>} : memref<50x128xi32, #tpu.memory_space<vmem>>, vector<1x16xi32>,
      %add3A_423 = arith.addi %mul3A_10, %scan3A_36 : i32
      %mul3A_424 = arith.constant 128 : i32
      %mul3A_425 = arith.muli %add3A_423, %mul3A_424 : i32
      %add3A_426 = arith.constant 112 : i32
      %add3A_427 = arith.addi %mul3A_425, %add3A_426 : i32
      %jit3A_428 = arith.constant 200 : i32
      %div3A_429 = arith.divsi %add3A_427, %jit3A_428 : i32
      %sign3A_430 = arith.constant 0 : i32
      %sign3A_431 = arith.cmpi sgt, %add3A_427, %sign3A_430 : i32
      %sign3A_432 = arith.extui %sign3A_431 : i1 to i32
      %sign3A_433 = arith.constant 0 : i32
      %sign3A_434 = arith.cmpi slt, %add3A_427, %sign3A_433 : i32
      %sign3A_435 = arith.extui %sign3A_434 : i1 to i32
      %sign3A_436 = arith.subi %sign3A_432, %sign3A_435 : i32
      %sign3A_437 = arith.constant 0 : i32
      %sign3A_438 = arith.cmpi sgt, %jit3A_428, %sign3A_437 : i32
      %sign3A_439 = arith.extui %sign3A_438 : i1 to i32
      %sign3A_440 = arith.constant 0 : i32
      %sign3A_441 = arith.cmpi slt, %jit3A_428, %sign3A_440 : i32
      %sign3A_442 = arith.extui %sign3A_441 : i1 to i32
      %sign3A_443 = arith.subi %sign3A_439, %sign3A_442 : i32
      %ne3A_444 = arith.cmpi ne, %sign3A_436, %sign3A_443 : i32
      %rem3A_445 = arith.remsi %add3A_427, %jit3A_428 : i32
      %ne3A_446 = arith.constant 0 : i32
      %ne3A_447 = arith.cmpi ne, %rem3A_445, %ne3A_446 : i32
      %and3A_448 = arith.andi %ne3A_444, %ne3A_447 : i1
      %sub3A_449 = arith.constant 1 : i32
      %sub3A_450 = arith.subi %div3A_429, %sub3A_449 : i32
      %select_n3A_451 = arith.select %and3A_448, %sub3A_450, %div3A_429 : i32
      %mul3A_452 = arith.constant 200 : i32
      %mul3A_453 = arith.muli %select_n3A_451, %mul3A_452 : i32
      %sub3A_454 = arith.subi %add3A_427, %mul3A_453 : i32
      %iota3A_455 = tpu.iota {dimensions = array<i32: 0>} : vector<16xi32>
      %add3A_456 = vector.broadcast %sub3A_454 : i32 to vector<16xi32>
      %add3A_457 = arith.addi %iota3A_455, %add3A_456 : vector<16xi32>
      %ge3A_458 = arith.constant 200 : i32
      %ge3A_459 = vector.broadcast %ge3A_458 : i32 to vector<16xi32>
      %ge3A_460 = arith.cmpi sge, %add3A_457, %ge3A_459 : vector<16xi32>
      %jit3A_461 = arith.constant 100000 : i32
      %jit3A_462 = arith.constant 0 : i32
      %broadcast_in_dim3A_463 = vector.broadcast %jit3A_461 : i32 to vector<16xi32>
      %broadcast_in_dim3A_464 = vector.broadcast %jit3A_462 : i32 to vector<16xi32>
      %select_n3A_465 = arith.select %ge3A_460, %broadcast_in_dim3A_463, %broadcast_in_dim3A_464 : vector<16xi1>, vector<16xi32>
      %get3A_466 = arith.index_cast %scan3A_36 : i32 to index
      %get3A_467 = arith.constant 112 : index
      %get3A_468 = tpu.vector_load %arg6[%get3A_466, %get3A_467] {strides = array<i32>} : memref<50x128xi32, #tpu.memory_space<vmem>>, vector<1x16xi32>,
      %get3A_469 = vector.shape_cast %get3A_468 : vector<1x16xi32> to vector<16xi32>
      %mul3A_470 = arith.constant 100000 : i32
      %mul3A_471 = arith.muli %select_n3A_451, %mul3A_470 : i32
      %add3A_472 = vector.broadcast %mul3A_471 : i32 to vector<16xi32>
      %add3A_473 = arith.addi %add3A_472, %select_n3A_465 : vector<16xi32>
      %add3A_474 = arith.addi %get3A_469, %add3A_473 : vector<16xi32>
      %swap3A_475 = arith.index_cast %scan3A_36 : i32 to index
      %swap3A_476 = arith.constant 112 : index
      %swap3A_477 = tpu.vector_load %arg8[%swap3A_475, %swap3A_476] {strides = array<i32>} : memref<50x128xi32, #tpu.memory_space<vmem>>, vector<1x16xi32>,
      %swap3A_478 = vector.shape_cast %swap3A_477 : vector<1x16xi32> to vector<16xi32>
      %swap3A_479 = vector.shape_cast %add3A_474 : vector<16xi32> to vector<1x16xi32>
      tpu.vector_store %arg8[%swap3A_475, %swap3A_476], %swap3A_479 {strides = array<i32>} : memref<50x128xi32, #tpu.memory_space<vmem>>, vector<1x16xi32>,
    }
    %scan3A_15 = arith.constant 50 : i32
    %scan3A_16 = arith.constant 0 : i32
    %scan3A_17 = arith.constant 0 : i32
    %scan3A_18 = arith.constant 1 : i32
    %scan3A_19 = arith.constant 0 : i32
    %scan3A_20 = arith.constant 50 : i32
    %scan3A_21 = arith.addi %scan3A_19, %scan3A_20 : i32
    %scan3A_22 = arith.constant 1 : i32
    scf.for %scan3A_36 = %scan3A_19 to %scan3A_21 step %scan3A_22  : i32 {
      %mul3A_37 = arith.constant 2 : i32
      %mul3A_38 = arith.muli %mul3A_37, %scan3A_36 : i32
      %mul3A_39 = arith.constant 32000 : i32
      %mul3A_40 = arith.muli %mul3A_38, %mul3A_39 : i32
      %add3A_41 = arith.addi %mul3A_2, %mul3A_40 : i32
      %dma_wait3A_42 = arith.constant 0 : i32
      %dma_wait3A_43 = tpu.memref_slice %arg9[%arg1, %scan3A_17, %dma_wait3A_42] : memref<16x2x32000xf32, #tpu.memory_space<vmem_shared>> -> memref<1x1x32000xf32, #tpu.memory_space<vmem_shared>>
      %dma_wait3A_44 = tpu.memref_squeeze %dma_wait3A_43 : memref<1x1x32000xf32, #tpu.memory_space<vmem_shared>> -> memref<32000xf32, #tpu.memory_space<vmem_shared>>
      %dma_wait3A_45 = tpu.memref_slice %arg2[%add3A_41] : memref<102400000xf32, #tpu.memory_space<hbm>> -> memref<32000xf32, #tpu.memory_space<hbm>>
      tpu.wait_dma2 semaphore(%arg10 : memref<!tpu.dma_semaphore, #tpu.memory_space<semaphore_mem>>) src(%dma_wait3A_45 : memref<32000xf32, #tpu.memory_space<hbm>>) dst(%dma_wait3A_44 : memref<32000xf32, #tpu.memory_space<vmem_shared>>)
      %mul3A_46 = arith.constant 32000 : i32
      %mul3A_47 = arith.muli %mul3A_38, %mul3A_46 : i32
      %add3A_48 = arith.addi %mul3A_2, %mul3A_47 : i32
      %dma_start3A_49 = tpu.memref_slice %arg5[%add3A_48] : memref<102400000xf32, #tpu.memory_space<hbm>> -> memref<32000xf32, #tpu.memory_space<hbm>>
      %dma_start3A_50 = arith.constant 0 : i32
      %dma_start3A_51 = tpu.memref_slice %arg9[%arg1, %scan3A_17, %dma_start3A_50] : memref<16x2x32000xf32, #tpu.memory_space<vmem_shared>> -> memref<1x1x32000xf32, #tpu.memory_space<vmem_shared>>
      %dma_start3A_52 = tpu.memref_squeeze %dma_start3A_51 : memref<1x1x32000xf32, #tpu.memory_space<vmem_shared>> -> memref<32000xf32, #tpu.memory_space<vmem_shared>>
      tpu.enqueue_dma source(%dma_start3A_52 : memref<32000xf32, #tpu.memory_space<vmem_shared>>) target(%dma_start3A_49 : memref<32000xf32, #tpu.memory_space<hbm>>) target_semaphore(%arg12 : memref<!tpu.dma_semaphore, #tpu.memory_space<semaphore_mem>>)
      %gt3A = arith.constant 0 : i32
      %gt3A_53 = arith.cmpi sgt, %scan3A_36, %gt3A : i32
      %convert_element_type3A = arith.extui %gt3A_53 : i1 to i32
      %cond3A = arith.constant 0 : i32
      %cond3A_54 = arith.cmpi ne, %convert_element_type3A, %cond3A : i32
      scf.if %cond3A_54 {
        %sub3A = arith.constant 1 : i32
        %sub3A_93 = arith.subi %mul3A_38, %sub3A : i32
        %mul3A_94 = arith.constant 32000 : i32
        %mul3A_95 = arith.muli %sub3A_93, %mul3A_94 : i32
        %add3A_96 = arith.addi %mul3A_2, %mul3A_95 : i32
        %dma_wait3A_97 = tpu.memref_slice %arg5[%add3A_96] : memref<102400000xf32, #tpu.memory_space<hbm>> -> memref<32000xf32, #tpu.memory_space<hbm>>
        %dma_wait3A_98 = arith.constant 0 : i32
        %dma_wait3A_99 = tpu.memref_slice %arg9[%arg1, %scan3A_18, %dma_wait3A_98] : memref<16x2x32000xf32, #tpu.memory_space<vmem_shared>> -> memref<1x1x32000xf32, #tpu.memory_space<vmem_shared>>
        %dma_wait3A_100 = tpu.memref_squeeze %dma_wait3A_99 : memref<1x1x32000xf32, #tpu.memory_space<vmem_shared>> -> memref<32000xf32, #tpu.memory_space<vmem_shared>>
        tpu.wait_dma2 semaphore(%arg13 : memref<!tpu.dma_semaphore, #tpu.memory_space<semaphore_mem>>) src(%dma_wait3A_100 : memref<32000xf32, #tpu.memory_space<vmem_shared>>) dst(%dma_wait3A_97 : memref<32000xf32, #tpu.memory_space<hbm>>)
      } else {
      }
      %add3A_55 = arith.constant 1 : i32
      %add3A_56 = arith.addi %mul3A_38, %add3A_55 : i32
      %mul3A_57 = arith.constant 32000 : i32
      %mul3A_58 = arith.muli %add3A_56, %mul3A_57 : i32
      %add3A_59 = arith.addi %mul3A_2, %mul3A_58 : i32
      %dma_start3A_60 = arith.constant 0 : i32
      %dma_start3A_61 = tpu.memref_slice %arg9[%arg1, %scan3A_18, %dma_start3A_60] : memref<16x2x32000xf32, #tpu.memory_space<vmem_shared>> -> memref<1x1x32000xf32, #tpu.memory_space<vmem_shared>>
      %dma_start3A_62 = tpu.memref_squeeze %dma_start3A_61 : memref<1x1x32000xf32, #tpu.memory_space<vmem_shared>> -> memref<32000xf32, #tpu.memory_space<vmem_shared>>
      %dma_start3A_63 = tpu.memref_slice %arg2[%add3A_59] : memref<102400000xf32, #tpu.memory_space<hbm>> -> memref<32000xf32, #tpu.memory_space<hbm>>
      tpu.enqueue_dma source(%dma_start3A_63 : memref<32000xf32, #tpu.memory_space<hbm>>) target(%dma_start3A_62 : memref<32000xf32, #tpu.memory_space<vmem_shared>>) target_semaphore(%arg11 : memref<!tpu.dma_semaphore, #tpu.memory_space<semaphore_mem>>)
      %add3A_64 = arith.constant 1 : i32
      %add3A_65 = arith.addi %mul3A_38, %add3A_64 : i32
      %mul3A_66 = arith.constant 32000 : i32
      %mul3A_67 = arith.muli %add3A_65, %mul3A_66 : i32
      %add3A_68 = arith.addi %mul3A_2, %mul3A_67 : i32
      %dma_wait3A_69 = arith.constant 0 : i32
      %dma_wait3A_70 = tpu.memref_slice %arg9[%arg1, %scan3A_18, %dma_wait3A_69] : memref<16x2x32000xf32, #tpu.memory_space<vmem_shared>> -> memref<1x1x32000xf32, #tpu.memory_space<vmem_shared>>
      %dma_wait3A_71 = tpu.memref_squeeze %dma_wait3A_70 : memref<1x1x32000xf32, #tpu.memory_space<vmem_shared>> -> memref<32000xf32, #tpu.memory_space<vmem_shared>>
      %dma_wait3A_72 = tpu.memref_slice %arg2[%add3A_68] : memref<102400000xf32, #tpu.memory_space<hbm>> -> memref<32000xf32, #tpu.memory_space<hbm>>
      tpu.wait_dma2 semaphore(%arg11 : memref<!tpu.dma_semaphore, #tpu.memory_space<semaphore_mem>>) src(%dma_wait3A_72 : memref<32000xf32, #tpu.memory_space<hbm>>) dst(%dma_wait3A_71 : memref<32000xf32, #tpu.memory_space<vmem_shared>>)
      %add3A_73 = arith.constant 1 : i32
      %add3A_74 = arith.addi %mul3A_38, %add3A_73 : i32
      %mul3A_75 = arith.constant 32000 : i32
      %mul3A_76 = arith.muli %add3A_74, %mul3A_75 : i32
      %add3A_77 = arith.addi %mul3A_2, %mul3A_76 : i32
      %dma_start3A_78 = tpu.memref_slice %arg5[%add3A_77] : memref<102400000xf32, #tpu.memory_space<hbm>> -> memref<32000xf32, #tpu.memory_space<hbm>>
      %dma_start3A_79 = arith.constant 0 : i32
      %dma_start3A_80 = tpu.memref_slice %arg9[%arg1, %scan3A_18, %dma_start3A_79] : memref<16x2x32000xf32, #tpu.memory_space<vmem_shared>> -> memref<1x1x32000xf32, #tpu.memory_space<vmem_shared>>
      %dma_start3A_81 = tpu.memref_squeeze %dma_start3A_80 : memref<1x1x32000xf32, #tpu.memory_space<vmem_shared>> -> memref<32000xf32, #tpu.memory_space<vmem_shared>>
      tpu.enqueue_dma source(%dma_start3A_81 : memref<32000xf32, #tpu.memory_space<vmem_shared>>) target(%dma_start3A_78 : memref<32000xf32, #tpu.memory_space<hbm>>) target_semaphore(%arg13 : memref<!tpu.dma_semaphore, #tpu.memory_space<semaphore_mem>>)
      %mul3A_82 = arith.constant 32000 : i32
      %mul3A_83 = arith.muli %mul3A_38, %mul3A_82 : i32
      %add3A_84 = arith.addi %mul3A_2, %mul3A_83 : i32
      %dma_wait3A_85 = tpu.memref_slice %arg5[%add3A_84] : memref<102400000xf32, #tpu.memory_space<hbm>> -> memref<32000xf32, #tpu.memory_space<hbm>>
      %dma_wait3A_86 = arith.constant 0 : i32
      %dma_wait3A_87 = tpu.memref_slice %arg9[%arg1, %scan3A_17, %dma_wait3A_86] : memref<16x2x32000xf32, #tpu.memory_space<vmem_shared>> -> memref<1x1x32000xf32, #tpu.memory_space<vmem_shared>>
      %dma_wait3A_88 = tpu.memref_squeeze %dma_wait3A_87 : memref<1x1x32000xf32, #tpu.memory_space<vmem_shared>> -> memref<32000xf32, #tpu.memory_space<vmem_shared>>
      tpu.wait_dma2 semaphore(%arg12 : memref<!tpu.dma_semaphore, #tpu.memory_space<semaphore_mem>>) src(%dma_wait3A_88 : memref<32000xf32, #tpu.memory_space<vmem_shared>>) dst(%dma_wait3A_85 : memref<32000xf32, #tpu.memory_space<hbm>>)
      %lt3A = arith.constant 49 : i32
      %lt3A_89 = arith.cmpi slt, %scan3A_36, %lt3A : i32
      %convert_element_type3A_90 = arith.extui %lt3A_89 : i1 to i32
      %cond3A_91 = arith.constant 0 : i32
      %cond3A_92 = arith.cmpi ne, %convert_element_type3A_90, %cond3A_91 : i32
      scf.if %cond3A_92 {
        %add3A_93 = arith.constant 2 : i32
        %add3A_94 = arith.addi %mul3A_38, %add3A_93 : i32
        %mul3A_95 = arith.constant 32000 : i32
        %mul3A_96 = arith.muli %add3A_94, %mul3A_95 : i32
        %add3A_97 = arith.addi %mul3A_2, %mul3A_96 : i32
        %dma_start3A_98 = arith.constant 0 : i32
        %dma_start3A_99 = tpu.memref_slice %arg9[%arg1, %scan3A_17, %dma_start3A_98] : memref<16x2x32000xf32, #tpu.memory_space<vmem_shared>> -> memref<1x1x32000xf32, #tpu.memory_space<vmem_shared>>
        %dma_start3A_100 = tpu.memref_squeeze %dma_start3A_99 : memref<1x1x32000xf32, #tpu.memory_space<vmem_shared>> -> memref<32000xf32, #tpu.memory_space<vmem_shared>>
        %dma_start3A_101 = tpu.memref_slice %arg2[%add3A_97] : memref<102400000xf32, #tpu.memory_space<hbm>> -> memref<32000xf32, #tpu.memory_space<hbm>>
        tpu.enqueue_dma source(%dma_start3A_101 : memref<32000xf32, #tpu.memory_space<hbm>>) target(%dma_start3A_100 : memref<32000xf32, #tpu.memory_space<vmem_shared>>) target_semaphore(%arg10 : memref<!tpu.dma_semaphore, #tpu.memory_space<semaphore_mem>>)
      } else {
      }
    }
    %scan3A_23 = arith.constant 50 : i32
    %add3A_24 = arith.constant 3168000 : i32
    %add3A_25 = arith.addi %mul3A_2, %add3A_24 : i32
    %dma_wait3A = arith.constant 1 : i32
    %dma_wait3A_26 = tpu.memref_slice %arg5[%add3A_25] : memref<102400000xf32, #tpu.memory_space<hbm>> -> memref<32000xf32, #tpu.memory_space<hbm>>
    %dma_wait3A_27 = arith.constant 0 : i32
    %dma_wait3A_28 = tpu.memref_slice %arg9[%arg1, %dma_wait3A, %dma_wait3A_27] : memref<16x2x32000xf32, #tpu.memory_space<vmem_shared>> -> memref<1x1x32000xf32, #tpu.memory_space<vmem_shared>>
    %dma_wait3A_29 = tpu.memref_squeeze %dma_wait3A_28 : memref<1x1x32000xf32, #tpu.memory_space<vmem_shared>> -> memref<32000xf32, #tpu.memory_space<vmem_shared>>
    tpu.wait_dma2 semaphore(%arg13 : memref<!tpu.dma_semaphore, #tpu.memory_space<semaphore_mem>>) src(%dma_wait3A_29 : memref<32000xf32, #tpu.memory_space<vmem_shared>>) dst(%dma_wait3A_26 : memref<32000xf32, #tpu.memory_space<hbm>>)
    %scan3A_30 = arith.constant 0 : i32
    %scan3A_31 = arith.constant 0 : i32
    %scan3A_32 = arith.constant 50 : i32
    %scan3A_33 = arith.addi %scan3A_31, %scan3A_32 : i32
    %scan3A_34 = arith.constant 1 : i32
    scf.for %scan3A_36 = %scan3A_31 to %scan3A_33 step %scan3A_34  : i32 {
      "tpu.region"() ({
        %run_scoped3A = tpu.sem_alloc : memref<!tpu.dma_semaphore, #tpu.memory_space<semaphore_mem>>
        %dma_start3A_37 = arith.constant 0 : i32
        %dma_start3A_38 = tpu.memref_slice %arg7[%scan3A_36, %dma_start3A_37] : memref<50x128xf32, #tpu.memory_space<vmem>> -> memref<1x128xf32, #tpu.memory_space<vmem>>
        %dma_start3A_39 = tpu.memref_squeeze %dma_start3A_38 : memref<1x128xf32, #tpu.memory_space<vmem>> -> memref<128xf32, #tpu.memory_space<vmem>>
        %dma_start3A_40 = arith.constant 0 : i32
        %dma_start3A_41 = tpu.memref_slice %arg8[%scan3A_36, %dma_start3A_40] : memref<50x128xi32, #tpu.memory_space<vmem>> -> memref<1x128xi32, #tpu.memory_space<vmem>>
        %dma_start3A_42 = tpu.memref_squeeze %dma_start3A_41 : memref<1x128xi32, #tpu.memory_space<vmem>> -> memref<128xi32, #tpu.memory_space<vmem>>
        %dma_start3A_43 = arith.constant 0 : i32
        %dma_start3A_44 = tpu.memref_slice %arg5[%dma_start3A_43] : memref<102400000xf32, #tpu.memory_space<hbm>> -> memref<102400000xf32, #tpu.memory_space<hbm>>
        tpu.enqueue_indirect_dma source(%dma_start3A_39 : memref<128xf32, #tpu.memory_space<vmem>>) target(%dma_start3A_44 : memref<102400000xf32, #tpu.memory_space<hbm>>) offsets(%dma_start3A_42 : memref<128xi32, #tpu.memory_space<vmem>>) semaphore(%run_scoped3A : memref<!tpu.dma_semaphore, #tpu.memory_space<semaphore_mem>>)
        %dma_wait3A_45 = arith.constant 0 : i32
        %dma_wait3A_46 = tpu.memref_slice %arg7[%scan3A_36, %dma_wait3A_45] : memref<50x128xf32, #tpu.memory_space<vmem>> -> memref<1x128xf32, #tpu.memory_space<vmem>>
        %dma_wait3A_47 = tpu.memref_squeeze %dma_wait3A_46 : memref<1x128xf32, #tpu.memory_space<vmem>> -> memref<128xf32, #tpu.memory_space<vmem>>
        %dma_wait3A_48 = arith.constant 0 : i32
        %dma_wait3A_49 = tpu.memref_slice %arg8[%scan3A_36, %dma_wait3A_48] : memref<50x128xi32, #tpu.memory_space<vmem>> -> memref<1x128xi32, #tpu.memory_space<vmem>>
        %dma_wait3A_50 = tpu.memref_squeeze %dma_wait3A_49 : memref<1x128xi32, #tpu.memory_space<vmem>> -> memref<128xi32, #tpu.memory_space<vmem>>
        %dma_wait3A_51 = arith.constant 0 : i32
        %dma_wait3A_52 = tpu.memref_slice %arg5[%dma_wait3A_51] : memref<102400000xf32, #tpu.memory_space<hbm>> -> memref<102400000xf32, #tpu.memory_space<hbm>>
        tpu.wait_indirect_dma semaphore(%run_scoped3A : memref<!tpu.dma_semaphore, #tpu.memory_space<semaphore_mem>>) src(%dma_wait3A_47 : memref<128xf32, #tpu.memory_space<vmem>>) dst(%dma_wait3A_52 : memref<102400000xf32, #tpu.memory_space<hbm>>)
        tpu.yield
      }) : () -> ()
    }
    %scan3A_35 = arith.constant 50 : i32
    return
  }
}

</mosaic_0001>

<sc_bundles>
// kernel: _scatter_op.3.cloned.1.call-start
scs
__scs_entry_jumppad:
0x0: {  	(pc) =	sbr.rel $0x88, $3  }
0x1: {  	(tag) =	ssettag $0x0;
	lr =	simm.s32 $0x1  }
0x2: {  	[smem:$0x3F9E] =	sst lr;
	_ =	strace $0xD0000000  }
0x3: {  	_ = 	snop  }
0x4: {  	_ = 	snop  }
0x5: {  	_ = 	snop  }
0x6: {  	_ = 	snop  }
0x7: {  	_ = 	snop  }
__scs_overlays_trampoline_lowered:
0x8: {  	[smem:$0x3FAD] =	sst s0  }
0x9: {  	[smem:$0x3FAE] =	sst s1  }
0xa: {  	[smem:$0x3FAF] =	sst s2  }
0xb: {  	[smem:$0x3FB0] =	sst s3  }
0xc: {  	[smem:$0x3FB1] =	sst s4  }
0xd: {  	[smem:$0x3FB2] =	sst s5  }
0xe: {  	[smem:$0x3FB3] =	sst s6  }
0xf: {  	[smem:$0x3FB4] =	sst s7  }
0x10: {  	[smem:$0x3FB5] =	sst s8  }
0x11: {  	[smem:$0x3FB6] =	sst s9;
	s0 =	simm.s32 @!p0 $0x0  }
0x12: {  	s1 =	sld [smem:$0x3F9C];
	s0 =	simm.s32 @p0 $0x1  }
0x13: {  	[smem:$0x3FB7] =	sst s0;
	s0 =	simm.s32 @!p1 $0x0  }
0x14: {  	s2 =	sld [smem:$0x3F9B];
	s0 =	simm.s32 @p1 $0x1  }
0x15: {  	[smem:$0x3FB8] =	sst s0;
	s0 =	simm.s32 @!p2 $0x0  }
0x16: {  	s3 =	sld [smem:$0x3FDB];
	s0 =	simm.s32 @p2 $0x1  }
0x17: {  	s4 =	simm.s32 $0x1BF5;
	[smem:$0x3FBA] =	sst s0  }
0x18: {  	s0 =	sld [smem:$0x3F9D];
	_ =	swait.ge [sflag:s4], $0x0  }
0x19: {  	s7 =	sld [smem:$0x3F9E]  }
0x1a: {  	s8 =	sadd.s32 $0xFFFFE003, lr  }
0x1b: {  	s9 =	sadd.s32 $0xFFFFFEF7, lr;
	s5 =	simm.s32 $0xFFFFFFFF;
	p2 =	slt.u32 s8, $0xFFFFF086  }
0x1c: {  	p1 =	slt.u32 s9, $0xF7A;
	s5 =	simm.s32 @!p2 $0x0  }
0x1d: {  	s5 =	simm.s32 @p1 $0x1;
	p0 =	seq.s32 s7, s2  }
0x1e: {  	s7 =	smul.u32 @!p0 $0xF7A, s2;
	p2 =	seq.s32 @!p0 s5, $0x0  }
0x1f: {  	s9 =	smul.u32 $0xF7A, s1;
	s8 =	simm.s32 @!p0 $0x1BF5;
	p2 =	por !p2, p0  }
0x20: {  	[sflag:s8] =	ssyncset.s32 @!p0 $0xFFFFF086;
	s6 =	sadd.s32 @!p0 s3, s7;
	s7 =	simm.s32 @!p0 $0x108  }
0x21: {  	s3 =	sadd.s32 s3, s9;
	s6 =	sadd.s32 @!p0 $0x88, s6;
	s7 =	simm.s32 @p2 $0x1082  }
0x22: {  	[simem:s7], [sflag:s8] =	dma.local @!p0 [hbm:s6], $0xF7A  }
0x23: {  	s9 =	sor.u32 $0xD0000000, s2;
	s6 =	simm.s32 $0x108;
	_ =	swait.ge @!p0 [sflag:s8], $0x0  }
0x24: {  	s3 =	sadd.s32 $0x88, s3;
	s6 =	simm.s32 @!p1 $0x1082;
	[sflag:s4] =	ssyncset.s32 $0xFFFFF086  }
0x25: {  	[simem:s6], [sflag:s4] =	dma.local [hbm:s3], $0xF7A  }
0x26: {  	[smem:$0x3F9E] =	sst s1;
	(tag) =	ssettag s2;
	_ =	strace s9  }
0x27: {  	s1 =	sld [smem:$0x3FAE]  }
0x28: {  	s2 =	sld [smem:$0x3FAF]  }
0x29: {  	s4 =	sld [smem:$0x3FB1]  }
0x2a: {  	p0 =	seq.s32 s5, $0x0;
	s5 =	sld [smem:$0x3FB2]  }
0x2b: {  	s6 =	sld [smem:$0x3FB3]  }
0x2c: {  	s7 =	sld [smem:$0x3FB4]  }
0x2d: {  	s3 =	simm.s32 $0x108;
	s8 =	sld [smem:$0x3FB5]  }
0x2e: {  	s3 =	simm.s32 @!p0 $0x1082;
	s9 =	sld [smem:$0x3FB6]  }
0x2f: {  	lr =	sadd.s32 s0, s3;
	s0 =	sld [smem:$0x3FAD]  }
0x30: {  	s3 =	sld [smem:$0x3FB0]  }
0x31: {  	[smem:$0x3FB9] =	sst s10  }
0x32: {  	s10 =	sld [smem:$0x3FB7];
	_ =	sdelay $0x3  }
0x33: {  	p0 =	seq.s32 s10, $0x1;
	s10 =	sld [smem:$0x3FB9];
	_ =	sdelay $0x3  }
0x34: {  	[smem:$0x3FB9] =	sst s10  }
0x35: {  	s10 =	sld [smem:$0x3FB8];
	_ =	sdelay $0x3  }
0x36: {  	p1 =	seq.s32 s10, $0x1;
	s10 =	sld [smem:$0x3FB9];
	_ =	sdelay $0x3  }
0x37: {  	[smem:$0x3FB9] =	sst s10  }
0x38: {  	s10 =	sld [smem:$0x3FBA]  }
0x39: {  	_ = 	snop;
	(pc) =	sbr.ind lr, $3  }
0x3a: {  	_ = 	snop  }
0x3b: {  	_ = 	snop  }
0x3c: {  	p2 =	seq.s32 s10, $0x1;
	s10 =	sld [smem:$0x3FB9]  }
0x3d: {  	_ =	shalt  }
0x3e: {  	_ =	shalt  }
0x3f: {  	_ =	shalt  }
0x40: {  	_ =	shalt  }
0x41: {  	_ =	shalt  }
0x42: {  	_ =	shalt  }
0x43: {  	_ =	shalt  }
0x44: {  	_ =	shalt  }
0x45: {  	_ =	shalt  }
0x46: {  	_ =	shalt  }
0x47: {  	_ =	shalt  }
0x48: {  	_ =	shalt  }
0x49: {  	_ =	shalt  }
0x4a: {  	_ =	shalt  }
0x4b: {  	_ =	shalt  }
0x4c: {  	_ =	shalt  }
0x4d: {  	_ =	shalt  }
0x4e: {  	_ =	shalt  }
0x4f: {  	_ =	shalt  }
0x50: {  	_ =	shalt  }
0x51: {  	_ =	shalt  }
0x52: {  	_ =	shalt  }
0x53: {  	_ =	shalt  }
0x54: {  	_ =	shalt  }
0x55: {  	_ =	shalt  }
0x56: {  	_ =	shalt  }
0x57: {  	_ =	shalt  }
0x58: {  	_ =	shalt  }
0x59: {  	_ =	shalt  }
0x5a: {  	_ =	shalt  }
0x5b: {  	_ =	shalt  }
0x5c: {  	_ =	shalt  }
0x5d: {  	_ =	shalt  }
0x5e: {  	_ =	shalt  }
0x5f: {  	_ =	shalt  }
0x60: {  	_ =	shalt  }
0x61: {  	_ =	shalt  }
0x62: {  	_ =	shalt  }
0x63: {  	_ =	shalt  }
0x64: {  	_ =	shalt  }
0x65: {  	_ =	shalt  }
0x66: {  	_ =	shalt  }
0x67: {  	_ =	shalt  }
0x68: {  	_ =	shalt  }
0x69: {  	_ =	shalt  }
0x6a: {  	_ =	shalt  }
0x6b: {  	_ =	shalt  }
0x6c: {  	_ =	shalt  }
0x6d: {  	_ =	shalt  }
0x6e: {  	_ =	shalt  }
0x6f: {  	_ =	shalt  }
0x70: {  	_ =	shalt  }
0x71: {  	_ =	shalt  }
0x72: {  	_ =	shalt  }
0x73: {  	_ =	shalt  }
0x74: {  	_ =	shalt  }
0x75: {  	_ =	shalt  }
0x76: {  	_ =	shalt  }
0x77: {  	_ =	shalt  }
0x78: {  	_ =	shalt  }
0x79: {  	_ =	shalt  }
0x7a: {  	_ =	shalt  }
0x7b: {  	_ =	shalt  }
0x7c: {  	_ =	shalt  }
0x7d: {  	_ =	shalt  }
0x7e: {  	_ =	shalt  }
0x7f: {  	_ =	shalt  }
0x80: {  	_ =	shalt  }
0x81: {  	_ =	shalt  }
0x82: {  	_ =	shalt  }
0x83: {  	_ =	shalt  }
0x84: {  	_ =	shalt  }
0x85: {  	_ =	shalt  }
0x86: {  	_ =	shalt  }
0x87: {  	_ =	shalt  }
.Lfunc_end0:
.L_simem_size_0:
called_computation_lowered:
.L_overlay_start_0:
0x88: {  	s2 =	sld [smem:$0x3FD9]  }
0x89: {  	s3 =	sld [smem:$0x3FFE];
	_ =	sdelay $0x1  }
0x8a: {  	s1 =	srdreg.scid  }
0x8b: {  	s0 =	sand.u32 $0x1, s1  }
0x8c: {  	s17 =	sshll.u32 s0, $0xA;
	s2 =	sadd.s32 s3, s2  }
0x8d: {  	s2 =	sadd.s32 s2, s17  }
0x8e: {  	[smem:$0x3FC5] =	sst s2  }
0x8f: {  	_ = 	snop  }
0x90: {  	s2 =	sld [smem:$0x3FC9]  }
0x91: {  	s18 =	sld [smem:$0x3FD0];
	(tm) =	ssettm $0x1  }
0x92: {  	s4 =	sld [smem:$0x3FFB];
	_ =	sdelay $0x3  }
0x93: {  	_ =	strace s4  }
0x94: {  	s4 =	sld [smem:$0x3FFC];
	_ =	sdelay $0x3  }
0x95: {  	_ =	strace s4  }
0x96: {  	s4 =	sld [smem:$0x3FFD];
	_ =	sdelay $0x3  }
0x97: {  	_ =	strace s4  }
0x98: {  	_ =	strace $0x8FFFFFFF  }
0x99: {  	s19 =	sld [smem:$0x3FDB];
	_ =	sdelay $0x1  }
0x9a: {  	s5 =	simm.s32 $_scs_section_size  }
0x9b: {  	s6 =	simm.s32 $_size__tile_overlayer_lowered;
	s7 =	simm.s32 $_tile_overlayer_lowered  }
0x9c: {  	s22 =	simm.s32 $0x1BFF;
	s21 =	sshll.u32 s7, $0x1;
	s4 =	sadd.s32 s5, s19  }
0x9d: {  	s8 =	simm.s32 $0x0;
	s20 =	sshll.u32 s6, $0x1;
	s6 =	sadd.s32 s21, s4  }
0x9e: {  	[timem:s8], [sflag:s22] =	dma.local [hbm:s6], s20  }
0x9f: {  	_ =	swait.ge [sflag:s22], s20  }
0xa0: {  	s5 =	ssub.s32 $0x0, s20;
	[sflag:s22] =	ssyncset.done $0x0  }
0xa1: {  	[sflag:s22] =	ssyncadd.s32 s5;
	_ =	sdelay $0x1  }
0xa2: {  	s23 =	simm.s32 $0x1B8B  }
0xa3: {  	_ =	swait.ge [sflag:s23], $0x1  }
0xa4: {  	[sflag:s23] =	ssyncset.done $0x0  }
0xa5: {  	s25 =	simm.s32 $0x1B8E;
	s24 =	sld [smem:$0x3FFE];
	[sflag:s23] =	ssyncadd.s32 $0xFFFFFFFF  }
0xa6: {  	s26 =	simm.s32 $execute0_lowered;
	[smem:$0x3FD2] =	sst s25  }
0xa7: {  	s6 =	sshll.u32 s26, $0x1;
	_ =	strace $0x80000046;
	[dreg:$0x1] =	wrdreg $0xFFFFFFFF  }
0xa8: {  	s28 =	simm.s32 $_size_execute0_lowered;
	s4 =	sadd.s32 s4, s6;
	[dreg:$0x0] =	wrdreg $0x0  }
0xa9: {  	s6 =	sshll.u32 s28, $0x1;
	[dreg:$0x2] =	wrdreg s4  }
0xaa: {  	[dreg:$0x3] =	wrdreg s6  }
0xab: {  	[dreg:$0x4] =	wrdreg $0xC0  }
0xac: {  	_ =	task [dreg:s8], $0x5FFFF  }
0xad: {  	[dreg:$0x1] =	wrdreg $0xFFFFFFFF  }
0xae: {  	[dreg:$0x0] =	wrdreg $0x60  }
0xaf: {  	[dreg:$0x2] =	wrdreg s2  }
0xb0: {  	[dreg:$0x3] =	wrdreg s24  }
0xb1: {  	[dreg:$0x4] =	wrdreg s18  }
0xb2: {  	[dreg:$0x5] =	wrdreg $0x54000  }
0xb3: {  	[dreg:$0x6] =	wrdreg $0x9  }
0xb4: {  	_ =	task.clear_ibuf [dreg:s8], $0x7FFFF;
	_ =	strace $0x90000046  }
0xb5: {  	s29 =	simm.s32 $0x9;
	_ =	strace $0x80000048  }
0xb6: {  	_ =	swait.ge [sflag:s29], $0x1  }
0xb7: {  	[sflag:s29] =	ssyncadd.s32 $0xFFFFFFFF  }
0xb8: {  	_ =	strace $0x90000048  }
0xb9: {  	_ =	sfence  }
0xba: {  	s30 =	sld [smem:$0x0];
	_ =	sdelay $0x2  }
0xbb: {  	s31 =	sshll.u32 s1, $0xD;
	s1 =	sshrl.u32 s1, $0x2  }
0xbc: {  	s3 =	sand.u32 $0x4000, s31;
	s1 =	sadd.s32 s1, s30  }
0xbd: {  	s0 =	sor.u32 s3, s0;
	s1 =	sshll.u32 s1, $0x11  }
0xbe: {  	s0 =	sor.u32 s1, s0  }
0xbf: {  	s0 =	sadd.s32 $0x8F2B, s0  }
0xc0: {  	[sflag:s0] =	ssyncadd.remote.s32 $0x1  }
0xc1: {  	_ =	sfence.sel $0xFFFF  }
0xc2: {  	[dreg:$0x0] =	wrdreg $0xFFFFFFFF;
	(pc) =	sbr.abs _section_cstart, $3  }
0xc3: {  	[dreg:$0x1] =	wrdreg $0xFFFFFFFF  }
0xc4: {  	_ =	task.clear_ibuf [dreg:s8], $0x2FFFF;
	_ =	strace $0x9FFFFFFF  }
0xc5: {  	(tm) =	ssettm $0x7FFFFFFF  }
tec
execute0_lowered:
.L_overlay_start_1:
0x0: {  	(tag) =	ssettag $0x1  }
0x1: {  	s0 =	rddreg [dreg:$0x0]  }
0x2: {  	s1 =	rddreg [dreg:$0x1]  }
0x3: {  	s3 =	srdreg.scid;
	s2 =	rddreg [dreg:$0x2]  }
0x4: {  	s10 =	stileid.u32;
	s5 =	rddreg [dreg:$0x3];
	s8 =	simm.s32 $0x0  }
0x5: {  	s31 =	simm.s32 $0x1;
	s3 =	sand.u32 $0x1, s3;
	s9 =	smul.u32 $0x3E800, s10  }
0x6: {  	[smem:$0x7FF] =	sst s8;
	s25 =	sshll.u32 s10, $0x6;
	s12 =	smul.u32 $0x3200, s10  }
0x7: {  	_ =	strace $0x80000047;
	[dreg:$0xc] =	wrdreg s25;
	s19 =	sor.u32 $0x1C01, s25  }
0x8: {  	s4 =	sshll.u32 s10, $0x1;
	s8 =	sor.u32 $0x10, s12;
	[dreg:$0xf] =	wrdreg s19  }
0x9: {  	s24 =	sshrl.u32 s9, $0x2;
	s9 =	sor.u32 $0x20, s12;
	[dreg:$0x5] =	wrdreg s8  }
0xa: {  	s16 =	smul.u32 $0x61A800, s10;
	s13 =	sor.u32 $0x30, s12;
	[dreg:$0x6] =	wrdreg s9  }
0xb: {  	s4 =	sor.u32 s3, s4;
	s14 =	sor.u32 $0x40, s12;
	[dreg:$0x7] =	wrdreg s13  }
0xc: {  	s7 =	ssub.s32 $0x2, s3;
	s17 =	sor.u32 $0x50, s12;
	[dreg:$0x8] =	wrdreg s14  }
0xd: {  	s15 =	smul.u32 $0x1900, s3;
	s21 =	sor.u32 $0x60, s12;
	[dreg:$0x9] =	wrdreg s17  }
0xe: {  	s22 =	sshrl.u32 s7, $0x1;
	s5 =	sadd.s32 s24, s5;
	[dreg:$0xa] =	wrdreg s21  }
0xf: {  	s23 =	ssub.s32 s7, s22;
	s22 =	sor.u32 $0x70, s12;
	[dreg:$0xd] =	wrdreg s5  }
0x10: {  	s3 =	smul.u32 $0x30D400, s3;
	s29 =	sadd.s32 $0x80, s5;
	[dreg:$0xb] =	wrdreg s22  }
0x11: {  	s18 =	sadd.s32 s15, s12;
	s30 =	smax.u32 s23, $0x1;
	[dreg:$0x12] =	wrdreg s29  }
0x12: {  	s6 =	smul.u32 $0x380, s4;
	s11 =	sor.u32 $0x10, s18;
	[dreg:$0x13] =	wrdreg s30  }
0x13: {  	s4 =	smul.u32 $0x30D400, s4;
	s20 =	sor.u32 $0x20, s18;
	[dreg:$0x18] =	wrdreg s11  }
0x14: {  	s3 =	sadd.s32 s3, s16;
	s24 =	sor.u32 $0x30, s18;
	[dreg:$0x19] =	wrdreg s20  }
0x15: {  	s1 =	sadd.s32 s6, s1;
	s25 =	sadd.s32 $0xFA00, s3;
	[dreg:$0x1a] =	wrdreg s24  }
0x16: {  	s4 =	sshrl.u32 s4, $0x3;
	s28 =	sadd.s32 $0x400, s1;
	[dreg:$0x1d] =	wrdreg s25  }
0x17: {  	s26 =	sadd.s32 s0, s4;
	s1 =	sadd.s32 $0x7400, s1;
	[dreg:$0x10] =	wrdreg s28  }
0x18: {  	s5 =	sadd.s32 $0xFA0, s4;
	s4 =	sadd.s32 s2, s4;
	[dreg:$0x11] =	wrdreg s1  }
0x19: {  	s10 =	simm.s32 $0x4;
	s8 =	simm.s32 $0x2;
	[dreg:$0x14] =	wrdreg s4  }
0x1a: {  	s9 =	simm.s32 $0x3;
	s29 =	sor.u32 $0x60, s18;
	[dreg:$0xe] =	wrdreg s26  }
0x1b: {  	s23 =	sadd.s32 $0x1F400, s3;
	s30 =	sor.u32 $0x70, s18;
	[smem:$0x7FC] =	sst s29  }
0x1c: {  	s11 =	simm.s32 $0x80;
	s6 =	sadd.s32 s0, s5;
	[smem:$0x7FD] =	sst s30  }
0x1d: {  	s1 =	sadd.s32 s2, s5;
	s7 =	sadd.s32 $0x1F40, s26;
	[dreg:$0x15] =	wrdreg s6  }
0x1e: {  	s4 =	sadd.s32 $0x17700, s3;
	s26 =	sor.u32 $0x40, s18;
	[dreg:$0x16] =	wrdreg s1  }
0x1f: {  	s28 =	sor.u32 $0x50, s18;
	s3 =	simm.s32 $0x5;
	[dreg:$0x17] =	wrdreg s7  }
0x20: {  	s5 =	simm.s32 $0x0;
	s1 =	sshrl.u32 s23, $0x3;
	[dreg:$0x1e] =	wrdreg s26  }
0x21: {  	s4 =	sshrl.u32 s4, $0x3;
	[dreg:$0x1f] =	wrdreg s28;
	s20 =	sadd.s32 s1, s0  }
0x22: {  	s21 =	sadd.s32 s4, s0;
	s24 =	sadd.s32 s4, s2;
	[dreg:$0x1b] =	wrdreg s20  }
0x23: {  	v0 =	vlaneseq.u32;
	v1 =	vimm.s32 $0x0;
	s1 =	simm.s32 $0x20;
	s0 =	simm.s32 $0x10;
	[dreg:$0x1c] =	wrdreg s21  }
.LBB2_1:
0x24: {  	[smem:$0x7FB] =	sst s5  }
0x25: {  	s4 =	rddreg [dreg:$0xd]  }
0x26: {  	s17 =	rddreg [dreg:$0xe];
	s14 =	sshrl.u32 s4, $0x3  }
0x27: {  	[spmem:s14@s1], [sflag:s19] =	dma.strided [hbm:s17@s0], $0xFA0, s31, $0x10   }
0x28: {  	s20 =	simm.s32 $0x0;
	s4 =	rddreg [dreg:$0x10]  }
0x29: {  	[tilespmem:s20], [sflag:$0x5] =	stream.linear.gather [hbm4b:s4+s20], $0x1900, $0x38;
	[tilespmem:$0x14E00] =	vst v63  }
0x2a: {  	s21 =	smulhi.u32 $0x51EB851F, s18;
	_ =	swait.ge [sflag:s3], $0x1900  }
0x2b: {  	s7 =	simm.s32 $0x1C00;
	[sflag:s3] =	ssyncset.done $0x0  }
0x2c: {  	s4 =	sshrl.u32 s21, $0x6;
	s6 =	rddreg [dreg:$0x11];
	[sflag:s3] =	ssyncadd.s32 $0xFFFFE700  }
0x2d: {  	[tilespmem:s7], [sflag:$0x5] =	stream.linear.gather [hbm4b:s6+s20], $0x1900, $0x38;
	[tilespmem:$0x14E00] =	vst v63  }
0x2e: {  	s5 =	sadd.s32 $0x0, s18;
	s4 =	smul.u32 $0xC8, s4;
	_ =	swait.ge [sflag:s3], $0x1900  }
0x2f: {  	s13 =	smulhi.u32 $0x51EB851F, s5;
	s17 =	simm.s32 $0x40;
	[sflag:s3] =	ssyncset.done $0x0  }
0x30: {  	s22 =	ssub.s32 s12, s4;
	s4 =	sadd.s32 $0x0, s15;
	[sflag:s3] =	ssyncadd.s32 $0xFFFFE700  }
0x31: {  	s6 =	sadd.s32 s22, s4;
	s7 =	rddreg [dreg:$0x18];
	v2 =	vld [tilespmem:s17+$0xFFFFFFC0]  }
0x32: {  	s13 =	sshrl.u32 s13, $0x6;
	v3 =	vadd.s32 s6, v0;
	s16 =	smulhi.u32 $0x51EB851F, s7  }
0x33: {  	s23 =	smul.u32 $0x186A0, s13;
	vm0 =	vgt.s32 v3, $0xC7  }
0x34: {  	v3 =	vsel vm0, $0x186A0, v1;
	s25 =	sshrl.u32 s16, $0x6  }
0x35: {  	v3 =	vadd.s32 s23, v3;
	s13 =	smul.u32 $0xC8, s25  }
0x36: {  	s20 =	sadd.s32 $0x10, s5;
	s26 =	rddreg [dreg:$0x5];
	s16 =	simm.s32 $0x3840;
	v2 =	vadd.s32 v2, v3  }
0x37: {  	s6 =	smulhi.u32 $0x51EB851F, s20;
	s13 =	ssub.s32 s26, s13;
	[tilespmem:s16+$0xFFFFFFC0] =	vst v2  }
0x38: {  	s20 =	rddreg [dreg:$0x19];
	s13 =	sadd.s32 s13, s4;
	v2 =	vld [tilespmem:s17+$0xFFFFFFD0]  }
0x39: {  	s21 =	smulhi.u32 $0x51EB851F, s20;
	s6 =	sshrl.u32 s6, $0x6;
	v3 =	vadd.s32 s13, v0  }
0x3a: {  	s6 =	smul.u32 $0x186A0, s6;
	vm10 =	vgt.s32 v3, $0xC7  }
0x3b: {  	s22 =	sshrl.u32 s21, $0x6;
	v3 =	vsel vm10, $0x186A0, v1  }
0x3c: {  	s13 =	smul.u32 $0xC8, s22;
	v3 =	vadd.s32 s6, v3  }
0x3d: {  	s23 =	rddreg [dreg:$0x6];
	s25 =	sadd.s32 $0x20, s5;
	v2 =	vadd.s32 v2, v3  }
0x3e: {  	s13 =	ssub.s32 s23, s13;
	s6 =	smulhi.u32 $0x51EB851F, s25;
	[tilespmem:s16+$0xFFFFFFD0] =	vst v2  }
0x3f: {  	s21 =	rddreg [dreg:$0x1a];
	s13 =	sadd.s32 s13, s4;
	v2 =	vld [tilespmem:s17+$0xFFFFFFE0]  }
0x40: {  	s26 =	smulhi.u32 $0x51EB851F, s21;
	s6 =	sshrl.u32 s6, $0x6;
	v3 =	vadd.s32 s13, v0  }
0x41: {  	s6 =	smul.u32 $0x186A0, s6;
	vm11 =	vgt.s32 v3, $0xC7  }
0x42: {  	s19 =	sshrl.u32 s26, $0x6;
	v3 =	vsel vm11, $0x186A0, v1  }
0x43: {  	s13 =	smul.u32 $0xC8, s19;
	v3 =	vadd.s32 s6, v3  }
0x44: {  	s22 =	rddreg [dreg:$0x7];
	s23 =	sadd.s32 $0x30, s5;
	v2 =	vadd.s32 v2, v3  }
0x45: {  	s13 =	ssub.s32 s22, s13;
	s6 =	smulhi.u32 $0x51EB851F, s23;
	[tilespmem:s16+$0xFFFFFFE0] =	vst v2  }
0x46: {  	s26 =	rddreg [dreg:$0x1e];
	s13 =	sadd.s32 s13, s4;
	v2 =	vld [tilespmem:s17+$0xFFFFFFF0]  }
0x47: {  	s25 =	smulhi.u32 $0x51EB851F, s26;
	s6 =	sshrl.u32 s6, $0x6;
	v3 =	vadd.s32 s13, v0  }
0x48: {  	s6 =	smul.u32 $0x186A0, s6;
	vm12 =	vgt.s32 v3, $0xC7  }
0x49: {  	s19 =	sshrl.u32 s25, $0x6;
	v3 =	vsel vm12, $0x186A0, v1  }
0x4a: {  	s13 =	smul.u32 $0xC8, s19;
	v3 =	vadd.s32 s6, v3  }
0x4b: {  	s22 =	rddreg [dreg:$0x8];
	s23 =	sadd.s32 $0x40, s5;
	v2 =	vadd.s32 v2, v3  }
0x4c: {  	s13 =	ssub.s32 s22, s13;
	s6 =	smulhi.u32 $0x51EB851F, s23;
	[tilespmem:s16+$0xFFFFFFF0] =	vst v2  }
0x4d: {  	s28 =	rddreg [dreg:$0x1f];
	s13 =	sadd.s32 s13, s4;
	v2 =	vld [tilespmem:s17+$0x0]  }
0x4e: {  	s25 =	smulhi.u32 $0x51EB851F, s28;
	s6 =	sshrl.u32 s6, $0x6;
	v3 =	vadd.s32 s13, v0  }
0x4f: {  	s6 =	smul.u32 $0x186A0, s6;
	vm13 =	vgt.s32 v3, $0xC7  }
0x50: {  	s19 =	sshrl.u32 s25, $0x6;
	v3 =	vsel vm13, $0x186A0, v1  }
0x51: {  	s29 =	sld [smem:$0x7FC];
	s13 =	smul.u32 $0xC8, s19;
	v3 =	vadd.s32 s6, v3  }
0x52: {  	s22 =	rddreg [dreg:$0x9];
	s23 =	sadd.s32 $0x50, s5;
	v2 =	vadd.s32 v2, v3  }
0x53: {  	s13 =	ssub.s32 s22, s13;
	s6 =	smulhi.u32 $0x51EB851F, s23;
	[tilespmem:s16+$0x0] =	vst v2  }
0x54: {  	s13 =	sadd.s32 s13, s4;
	v2 =	vld [tilespmem:s17+$0x10]  }
0x55: {  	s25 =	smulhi.u32 $0x51EB851F, s29;
	s6 =	sshrl.u32 s6, $0x6;
	v3 =	vadd.s32 s13, v0  }
0x56: {  	s6 =	smul.u32 $0x186A0, s6;
	vm14 =	vgt.s32 v3, $0xC7  }
0x57: {  	s22 =	sshrl.u32 s25, $0x6;
	v3 =	vsel vm14, $0x186A0, v1  }
0x58: {  	s30 =	sld [smem:$0x7FD];
	s13 =	smul.u32 $0xC8, s22;
	v3 =	vadd.s32 s6, v3  }
0x59: {  	s25 =	sadd.s32 $0x60, s5;
	s23 =	rddreg [dreg:$0xa];
	v2 =	vadd.s32 v2, v3  }
0x5a: {  	s13 =	ssub.s32 s23, s13;
	s6 =	smulhi.u32 $0x51EB851F, s25;
	[tilespmem:s16+$0x10] =	vst v2  }
0x5b: {  	s22 =	smulhi.u32 $0x51EB851F, s30;
	s13 =	sadd.s32 s13, s4;
	v2 =	vld [tilespmem:s17+$0x20]  }
0x5c: {  	s6 =	sshrl.u32 s6, $0x6;
	v3 =	vadd.s32 s13, v0  }
0x5d: {  	s23 =	sshrl.u32 s22, $0x6;
	s6 =	smul.u32 $0x186A0, s6;
	vm15 =	vgt.s32 v3, $0xC7  }
0x5e: {  	s13 =	smul.u32 $0xC8, s23;
	v3 =	vsel vm15, $0x186A0, v1  }
0x5f: {  	s5 =	sadd.s32 $0x70, s5;
	s25 =	rddreg [dreg:$0xb];
	v3 =	vadd.s32 s6, v3  }
0x60: {  	s23 =	smulhi.u32 $0x51EB851F, s5;
	s5 =	simm.s32 $0x100;
	s22 =	ssub.s32 s25, s13;
	v2 =	vadd.s32 v2, v3  }
0x61: {  	s25 =	simm.s32 $0x80;
	s19 =	sadd.s32 s22, s4;
	s6 =	sadd.s32 $0x80, s18;
	[tilespmem:s16+$0x20] =	vst v2  }
0x62: {  	s13 =	sshrl.u32 s23, $0x6;
	s4 =	smulhi.u32 $0x51EB851F, s6;
	v3 =	vadd.s32 s19, v0;
	s19 =	smov.u32 s7;
	v2 =	vld [tilespmem:s17+$0x30]  }
.LBB2_2:
0x63: {  	_ = 	snop  }
0x64: {  	vm0 =	vgt.s32 v3, $0xC7;
	s13 =	smul.u32 $0x186A0, s13  }
0x65: {  	s4 =	sshrl.u32 s4, $0x6;
	v3 =	vsel vm0, $0x186A0, v1  }
0x66: {  	s22 =	smul.u32 $0xC8, s4;
	v3 =	vadd.s32 s13, v3  }
0x67: {  	s17 =	sadd.s32 $0x80, s17;
	s4 =	sadd.s32 s25, s18;
	v2 =	vadd.s32 v2, v3  }
0x68: {  	s13 =	sadd.s32 s25, s15;
	s7 =	smulhi.u32 $0x51EB851F, s4;
	s22 =	ssub.s32 s12, s22;
	[tilespmem:s16+$0x30] =	vst v2  }
0x69: {  	s19 =	sadd.s32 $0x80, s19;
	s22 =	sadd.s32 s22, s13;
	v2 =	vld [tilespmem:s17+$0xFFFFFFC0]  }
0x6a: {  	s23 =	smulhi.u32 $0x51EB851F, s19;
	s7 =	sshrl.u32 s7, $0x6;
	v3 =	vadd.s32 s22, v0  }
0x6b: {  	s7 =	smul.u32 $0x186A0, s7;
	vm9 =	vgt.s32 v3, $0xC7  }
0x6c: {  	s22 =	sshrl.u32 s23, $0x6;
	v3 =	vsel vm9, $0x186A0, v1  }
0x6d: {  	s22 =	smul.u32 $0xC8, s22;
	v3 =	vadd.s32 s7, v3  }
0x6e: {  	s16 =	sadd.s32 $0x80, s16;
	s23 =	rddreg [dreg:$0x5];
	s7 =	sadd.s32 $0x10, s4;
	v2 =	vadd.s32 v2, v3  }
0x6f: {  	s22 =	ssub.s32 s23, s22;
	s7 =	smulhi.u32 $0x51EB851F, s7;
	[tilespmem:s16+$0xFFFFFFC0] =	vst v2  }
0x70: {  	s20 =	sadd.s32 $0x80, s20;
	s22 =	sadd.s32 s22, s13;
	v2 =	vld [tilespmem:s17+$0xFFFFFFD0]  }
0x71: {  	s23 =	smulhi.u32 $0x51EB851F, s20;
	v3 =	vadd.s32 s22, v0;
	s7 =	sshrl.u32 s7, $0x6  }
0x72: {  	vm10 =	vgt.s32 v3, $0xC7;
	s7 =	smul.u32 $0x186A0, s7  }
0x73: {  	s22 =	sshrl.u32 s23, $0x6;
	v3 =	vsel vm10, $0x186A0, v1  }
0x74: {  	s22 =	smul.u32 $0xC8, s22;
	v3 =	vadd.s32 s7, v3  }
0x75: {  	s23 =	rddreg [dreg:$0x6];
	s7 =	sadd.s32 $0x20, s4;
	v2 =	vadd.s32 v2, v3  }
0x76: {  	s22 =	ssub.s32 s23, s22;
	s7 =	smulhi.u32 $0x51EB851F, s7;
	[tilespmem:s16+$0xFFFFFFD0] =	vst v2  }
0x77: {  	s21 =	sadd.s32 $0x80, s21;
	s22 =	sadd.s32 s22, s13;
	v2 =	vld [tilespmem:s17+$0xFFFFFFE0]  }
0x78: {  	s23 =	smulhi.u32 $0x51EB851F, s21;
	s7 =	sshrl.u32 s7, $0x6;
	v3 =	vadd.s32 s22, v0  }
0x79: {  	vm11 =	vgt.s32 v3, $0xC7;
	s7 =	smul.u32 $0x186A0, s7  }
0x7a: {  	s22 =	sshrl.u32 s23, $0x6;
	v3 =	vsel vm11, $0x186A0, v1  }
0x7b: {  	s22 =	smul.u32 $0xC8, s22;
	v3 =	vadd.s32 s7, v3  }
0x7c: {  	s23 =	rddreg [dreg:$0x7];
	s7 =	sadd.s32 $0x30, s4;
	v2 =	vadd.s32 v2, v3  }
0x7d: {  	s22 =	ssub.s32 s23, s22;
	s7 =	smulhi.u32 $0x51EB851F, s7;
	[tilespmem:s16+$0xFFFFFFE0] =	vst v2  }
0x7e: {  	s26 =	sadd.s32 $0x80, s26;
	s22 =	sadd.s32 s22, s13;
	v2 =	vld [tilespmem:s17+$0xFFFFFFF0]  }
0x7f: {  	s23 =	smulhi.u32 $0x51EB851F, s26;
	s7 =	sshrl.u32 s7, $0x6;
	v3 =	vadd.s32 s22, v0  }
0x80: {  	s7 =	smul.u32 $0x186A0, s7;
	vm12 =	vgt.s32 v3, $0xC7  }
0x81: {  	s22 =	sshrl.u32 s23, $0x6;
	v3 =	vsel vm12, $0x186A0, v1  }
0x82: {  	s22 =	smul.u32 $0xC8, s22;
	v3 =	vadd.s32 s7, v3  }
0x83: {  	s23 =	rddreg [dreg:$0x8];
	s7 =	sadd.s32 $0x40, s4;
	v2 =	vadd.s32 v2, v3  }
0x84: {  	s22 =	ssub.s32 s23, s22;
	s7 =	smulhi.u32 $0x51EB851F, s7;
	[tilespmem:s16+$0xFFFFFFF0] =	vst v2  }
0x85: {  	s28 =	sadd.s32 $0x80, s28;
	s22 =	sadd.s32 s22, s13;
	v2 =	vld [tilespmem:s17+$0x0]  }
0x86: {  	s23 =	smulhi.u32 $0x51EB851F, s28;
	s7 =	sshrl.u32 s7, $0x6;
	v3 =	vadd.s32 s22, v0  }
0x87: {  	s7 =	smul.u32 $0x186A0, s7;
	vm13 =	vgt.s32 v3, $0xC7  }
0x88: {  	s22 =	sshrl.u32 s23, $0x6;
	v3 =	vsel vm13, $0x186A0, v1  }
0x89: {  	s22 =	smul.u32 $0xC8, s22;
	v3 =	vadd.s32 s7, v3  }
0x8a: {  	s23 =	rddreg [dreg:$0x9];
	s7 =	sadd.s32 $0x50, s4;
	v2 =	vadd.s32 v2, v3  }
0x8b: {  	s22 =	ssub.s32 s23, s22;
	s7 =	smulhi.u32 $0x51EB851F, s7;
	[tilespmem:s16+$0x0] =	vst v2  }
0x8c: {  	s29 =	sadd.s32 $0x80, s29;
	s22 =	sadd.s32 s22, s13;
	v2 =	vld [tilespmem:s17+$0x10]  }
0x8d: {  	s23 =	smulhi.u32 $0x51EB851F, s29;
	s7 =	sshrl.u32 s7, $0x6;
	v3 =	vadd.s32 s22, v0  }
0x8e: {  	s7 =	smul.u32 $0x186A0, s7;
	vm14 =	vgt.s32 v3, $0xC7  }
0x8f: {  	s22 =	sshrl.u32 s23, $0x6;
	v3 =	vsel vm14, $0x186A0, v1  }
0x90: {  	s22 =	smul.u32 $0xC8, s22;
	v3 =	vadd.s32 s7, v3;
	s7 =	sadd.s32 $0x60, s4  }
0x91: {  	s30 =	sadd.s32 $0x80, s30;
	s23 =	rddreg [dreg:$0xa];
	s7 =	smulhi.u32 $0x51EB851F, s7;
	v2 =	vadd.s32 v2, v3  }
0x92: {  	s22 =	ssub.s32 s23, s22;
	s23 =	smulhi.u32 $0x51EB851F, s30;
	[tilespmem:s16+$0x10] =	vst v2  }
0x93: {  	s22 =	sadd.s32 s22, s13;
	s7 =	sshrl.u32 s7, $0x6;
	v2 =	vld [tilespmem:s17+$0x20]  }
0x94: {  	v3 =	vadd.s32 s22, v0;
	s7 =	smul.u32 $0x186A0, s7;
	s22 =	sshrl.u32 s23, $0x6  }
0x95: {  	p0 =	sne.s32 s5, $0x1880;
	vm15 =	vgt.s32 v3, $0xC7;
	s22 =	smul.u32 $0xC8, s22  }
.Ltmp0:
0x96: {  	v3 =	vsel vm15, $0x186A0, v1;
	(pc) =	sbr.rel @p0 .LBB2_2-.Ltmp0, $4  }
0x97: {  	s4 =	sadd.s32 $0x70, s4;
	s23 =	rddreg [dreg:$0xb];
	v3 =	vadd.s32 s7, v3  }
0x98: {  	s22 =	ssub.s32 s23, s22;
	s23 =	smulhi.u32 $0x51EB851F, s4;
	v2 =	vadd.s32 v2, v3  }
0x99: {  	s6 =	sadd.s32 $0x80, s6;
	s25 =	smov.u32 s5;
	s7 =	sadd.s32 s22, s13;
	[tilespmem:s16+$0x20] =	vst v2  }
0x9a: {  	s5 =	sadd.s32 $0x80, s5;
	s4 =	smulhi.u32 $0x51EB851F, s6;
	s13 =	sshrl.u32 s23, $0x6;
	v3 =	vadd.s32 s7, v0;
	v2 =	vld [tilespmem:s17+$0x30]  }
0x9b: {  	_ = 	snop  }
0x9c: {  	vm0 =	vgt.s32 v3, $0xC7;
	s5 =	smul.u32 $0x186A0, s13  }
0x9d: {  	s4 =	sshrl.u32 s4, $0x6;
	v3 =	vsel vm0, $0x186A0, v1  }
0x9e: {  	s6 =	smul.u32 $0xC8, s4;
	v3 =	vadd.s32 s5, v3  }
0x9f: {  	s5 =	sadd.s32 s25, s18;
	s4 =	sadd.s32 $0x80, s17;
	v2 =	vadd.s32 v2, v3  }
0xa0: {  	s22 =	smulhi.u32 $0x51EB851F, s5;
	s7 =	ssub.s32 s12, s6;
	s6 =	sadd.s32 s25, s15;
	[tilespmem:s16+$0x30] =	vst v2  }
0xa1: {  	s23 =	sadd.s32 $0x80, s19;
	s7 =	sadd.s32 s7, s6;
	v2 =	vld [tilespmem:s4+$0xFFFFFFC0]  }
0xa2: {  	s17 =	smulhi.u32 $0x51EB851F, s23;
	s13 =	sshrl.u32 s22, $0x6;
	v3 =	vadd.s32 s7, v0  }
0xa3: {  	s25 =	smul.u32 $0x186A0, s13;
	vm8 =	vgt.s32 v3, $0xC7  }
0xa4: {  	s19 =	sshrl.u32 s17, $0x6;
	v3 =	vsel vm8, $0x186A0, v1  }
0xa5: {  	s23 =	smul.u32 $0xC8, s19;
	v3 =	vadd.s32 s25, v3  }
0xa6: {  	s22 =	rddreg [dreg:$0x5];
	s13 =	sadd.s32 $0x80, s16;
	s25 =	sadd.s32 $0x10, s5;
	v2 =	vadd.s32 v2, v3  }
0xa7: {  	s19 =	ssub.s32 s22, s23;
	s7 =	smulhi.u32 $0x51EB851F, s25;
	[tilespmem:s13+$0xFFFFFFC0] =	vst v2  }
0xa8: {  	s20 =	sadd.s32 $0x80, s20;
	s16 =	sadd.s32 s19, s6;
	v2 =	vld [tilespmem:s4+$0xFFFFFFD0]  }
0xa9: {  	s17 =	smulhi.u32 $0x51EB851F, s20;
	v3 =	vadd.s32 s16, v0;
	s7 =	sshrl.u32 s7, $0x6  }
0xaa: {  	vm9 =	vgt.s32 v3, $0xC7;
	s7 =	smul.u32 $0x186A0, s7  }
0xab: {  	s22 =	sshrl.u32 s17, $0x6;
	v3 =	vsel vm9, $0x186A0, v1  }
0xac: {  	s16 =	smul.u32 $0xC8, s22;
	v3 =	vadd.s32 s7, v3  }
0xad: {  	s23 =	rddreg [dreg:$0x6];
	s25 =	sadd.s32 $0x20, s5;
	v2 =	vadd.s32 v2, v3  }
0xae: {  	s16 =	ssub.s32 s23, s16;
	s7 =	smulhi.u32 $0x51EB851F, s25;
	[tilespmem:s13+$0xFFFFFFD0] =	vst v2  }
0xaf: {  	s19 =	sadd.s32 $0x80, s21;
	s16 =	sadd.s32 s16, s6;
	v2 =	vld [tilespmem:s4+$0xFFFFFFE0]  }
0xb0: {  	s17 =	smulhi.u32 $0x51EB851F, s19;
	s7 =	sshrl.u32 s7, $0x6;
	v3 =	vadd.s32 s16, v0  }
0xb1: {  	s7 =	smul.u32 $0x186A0, s7;
	vm10 =	vgt.s32 v3, $0xC7  }
0xb2: {  	s20 =	sshrl.u32 s17, $0x6;
	v3 =	vsel vm10, $0x186A0, v1  }
0xb3: {  	s16 =	smul.u32 $0xC8, s20;
	v3 =	vadd.s32 s7, v3  }
0xb4: {  	s21 =	rddreg [dreg:$0x7];
	s22 =	sadd.s32 $0x30, s5;
	v2 =	vadd.s32 v2, v3  }
0xb5: {  	s16 =	ssub.s32 s21, s16;
	s7 =	smulhi.u32 $0x51EB851F, s22;
	[tilespmem:s13+$0xFFFFFFE0] =	vst v2  }
0xb6: {  	s23 =	sadd.s32 $0x80, s26;
	s16 =	sadd.s32 s16, s6;
	v2 =	vld [tilespmem:s4+$0xFFFFFFF0]  }
0xb7: {  	s17 =	smulhi.u32 $0x51EB851F, s23;
	s7 =	sshrl.u32 s7, $0x6;
	v3 =	vadd.s32 s16, v0  }
0xb8: {  	s7 =	smul.u32 $0x186A0, s7;
	vm11 =	vgt.s32 v3, $0xC7  }
0xb9: {  	s25 =	sshrl.u32 s17, $0x6;
	v3 =	vsel vm11, $0x186A0, v1  }
0xba: {  	s16 =	smul.u32 $0xC8, s25;
	v3 =	vadd.s32 s7, v3  }
0xbb: {  	s19 =	sadd.s32 $0x40, s5;
	s26 =	rddreg [dreg:$0x8];
	v2 =	vadd.s32 v2, v3  }
0xbc: {  	s16 =	ssub.s32 s26, s16;
	s7 =	smulhi.u32 $0x51EB851F, s19;
	[tilespmem:s13+$0xFFFFFFF0] =	vst v2  }
0xbd: {  	s20 =	sadd.s32 $0x80, s28;
	s16 =	sadd.s32 s16, s6;
	v2 =	vld [tilespmem:s4+$0x0]  }
0xbe: {  	s17 =	smulhi.u32 $0x51EB851F, s20;
	s7 =	sshrl.u32 s7, $0x6;
	v3 =	vadd.s32 s16, v0  }
0xbf: {  	s7 =	smul.u32 $0x186A0, s7;
	vm12 =	vgt.s32 v3, $0xC7  }
0xc0: {  	s21 =	sshrl.u32 s17, $0x6;
	v3 =	vsel vm12, $0x186A0, v1  }
0xc1: {  	s16 =	smul.u32 $0xC8, s21;
	v3 =	vadd.s32 s7, v3  }
0xc2: {  	s23 =	sadd.s32 $0x50, s5;
	s22 =	rddreg [dreg:$0x9];
	v2 =	vadd.s32 v2, v3  }
0xc3: {  	s16 =	ssub.s32 s22, s16;
	s7 =	smulhi.u32 $0x51EB851F, s23;
	[tilespmem:s13+$0x0] =	vst v2  }
0xc4: {  	s25 =	sadd.s32 $0x80, s29;
	s16 =	sadd.s32 s16, s6;
	v2 =	vld [tilespmem:s4+$0x10]  }
0xc5: {  	s17 =	smulhi.u32 $0x51EB851F, s25;
	s7 =	sshrl.u32 s7, $0x6;
	v3 =	vadd.s32 s16, v0  }
0xc6: {  	s7 =	smul.u32 $0x186A0, s7;
	vm13 =	vgt.s32 v3, $0xC7  }
0xc7: {  	s26 =	sshrl.u32 s17, $0x6;
	v3 =	vsel vm13, $0x186A0, v1  }
0xc8: {  	s16 =	smul.u32 $0xC8, s26;
	v3 =	vadd.s32 s7, v3  }
0xc9: {  	s28 =	rddreg [dreg:$0xa];
	s29 =	sadd.s32 $0x60, s5;
	v2 =	vadd.s32 v2, v3  }
0xca: {  	s16 =	ssub.s32 s28, s16;
	s7 =	smulhi.u32 $0x51EB851F, s29;
	[tilespmem:s13+$0x10] =	vst v2  }
0xcb: {  	s30 =	sadd.s32 $0x80, s30;
	s16 =	sadd.s32 s16, s6;
	v2 =	vld [tilespmem:s4+$0x20]  }
0xcc: {  	s17 =	smulhi.u32 $0x51EB851F, s30;
	s7 =	sshrl.u32 s7, $0x6;
	v3 =	vadd.s32 s16, v0  }
0xcd: {  	s7 =	smul.u32 $0x186A0, s7;
	vm14 =	vgt.s32 v3, $0xC7  }
0xce: {  	s19 =	sshrl.u32 s17, $0x6;
	v3 =	vsel vm14, $0x186A0, v1  }
0xcf: {  	s21 =	smul.u32 $0xC8, s19;
	v3 =	vadd.s32 s7, v3  }
0xd0: {  	s20 =	rddreg [dreg:$0xb];
	s5 =	sadd.s32 $0x70, s5;
	v2 =	vadd.s32 v2, v3  }
0xd1: {  	s5 =	smulhi.u32 $0x51EB851F, s5;
	s7 =	ssub.s32 s20, s21;
	[tilespmem:s13+$0x20] =	vst v2  }
0xd2: {  	s6 =	sadd.s32 s7, s6;
	v2 =	vld [tilespmem:s4+$0x30]  }
0xd3: {  	s22 =	sshrl.u32 s5, $0x6;
	v3 =	vadd.s32 s6, v0  }
0xd4: {  	vm15 =	vgt.s32 v3, $0xC7;
	s4 =	smul.u32 $0x186A0, s22  }
0xd5: {  	v3 =	vsel vm15, $0x186A0, v1  }
0xd6: {  	v3 =	vadd.s32 s4, v3  }
0xd7: {  	v2 =	vadd.s32 v2, v3  }
0xd8: {  	[tilespmem:s13+$0x30] =	vst v2  }
0xd9: {  	_ =	swait.ge [sflag:s31], $0xFA0  }
0xda: {  	[sflag:s31] =	ssyncset.done $0x0;
	s23 =	rddreg [dreg:$0xc]  }
0xdb: {  	s25 =	rddreg [dreg:$0x14];
	[sflag:s31] =	ssyncadd.s32 $0xFFFFF060;
	s4 =	sor.u32 $0x1C03, s23  }
0xdc: {  	[hbm:s25@s0], [sflag:s4] =	dma.strided [spmem:s14@s1], $0xFA0, s31, $0x10   }
0xdd: {  	s26 =	rddreg [dreg:$0x12]  }
0xde: {  	s5 =	sor.u32 $0x1C02, s23;
	s28 =	rddreg [dreg:$0x15];
	s6 =	sshrl.u32 s26, $0x3  }
0xdf: {  	[spmem:s6@s1], [sflag:s5] =	dma.strided [hbm:s28@s0], $0xFA0, s31, $0x10   }
0xe0: {  	_ =	swait.ge [sflag:s8], $0xFA0  }
0xe1: {  	[sflag:s8] =	ssyncset.done $0x0  }
0xe2: {  	s13 =	sor.u32 $0x1C04, s23;
	s29 =	rddreg [dreg:$0x16];
	[sflag:s8] =	ssyncadd.s32 $0xFFFFF060  }
0xe3: {  	[hbm:s29@s0], [sflag:s13] =	dma.strided [spmem:s6@s1], $0xFA0, s31, $0x10   }
0xe4: {  	_ =	swait.ge [sflag:s9], $0xFA0  }
0xe5: {  	[sflag:s9] =	ssyncset.done $0x0;
	s19 =	rddreg [dreg:$0xf]  }
0xe6: {  	s30 =	rddreg [dreg:$0x17];
	[sflag:s9] =	ssyncadd.s32 $0xFFFFF060  }
0xe7: {  	[spmem:s14@s1], [sflag:s19] =	dma.strided [hbm:s30@s0], $0xFA0, s31, $0x10   }
0xe8: {  	s17 =	rddreg [dreg:$0x1d]  }
0xe9: {  	s20 =	rddreg [dreg:$0x1b]  }
0xea: {  	s16 =	simm.s32 $0x0;
	s21 =	rddreg [dreg:$0x1c]  }
.LBB2_4:
0xeb: {  	_ =	swait.ge [sflag:s31], $0xFA0  }
0xec: {  	s7 =	sshrl.u32 s17, $0x3;
	[sflag:s31] =	ssyncset.done $0x0  }
0xed: {  	s7 =	sadd.s32 s2, s7;
	[sflag:s31] =	ssyncadd.s32 $0xFFFFF060  }
0xee: {  	[hbm:s7@s0], [sflag:s4] =	dma.strided [spmem:s14@s1], $0xFA0, s31, $0x10   }
0xef: {  	_ =	swait.ge [sflag:s10], $0xFA0  }
0xf0: {  	[sflag:s10] =	ssyncset.done $0x0  }
0xf1: {  	s29 =	sadd.s32 s16, s21;
	[sflag:s10] =	ssyncadd.s32 $0xFFFFF060  }
0xf2: {  	[spmem:s6@s1], [sflag:s5] =	dma.strided [hbm:s29@s0], $0xFA0, s31, $0x10   }
0xf3: {  	_ =	swait.ge [sflag:s8], $0xFA0  }
0xf4: {  	p0 =	seq.s32 s16, $0x5DC00;
	[sflag:s8] =	ssyncset.done $0x0  }
.Ltmp1:
0xf5: {  	s30 =	sadd.s32 s16, s24;
	[sflag:s8] =	ssyncadd.s32 $0xFFFFF060;
	(pc) =	sbr.rel @p0 .LBB2_6-.Ltmp1, $4  }
0xf6: {  	[hbm:s30@s0], [sflag:s13] =	dma.strided [spmem:s6@s1], $0xFA0, s31, $0x10   }
0xf7: {  	_ =	swait.ge [sflag:s9], $0xFA0  }
0xf8: {  	[sflag:s9] =	ssyncset.done $0x0  }
0xf9: {  	[sflag:s9] =	ssyncadd.s32 $0xFFFFF060  }
.Ltmp2:
0xfa: {  	(pc) =	sbr.rel .LBB2_4-.Ltmp2, $3  }
0xfb: {  	_ =	sdelay $0x1  }
0xfc: {  	s7 =	sadd.s32 s16, s20;
	s16 =	sadd.s32 $0x1F40, s16;
	s17 =	sadd.s32 $0xFA00, s17  }
0xfd: {  	[spmem:s14@s1], [sflag:s19] =	dma.strided [hbm:s7@s0], $0xFA0, s31, $0x10   }
.LBB2_6:
0xfe: {  	_ =	swait.ge [sflag:s10], $0xFA0  }
0xff: {  	[sflag:s10] =	ssyncset.done $0x0  }
0x100: {  	s4 =	simm.s32 $0x1C00;
	s5 =	simm.s32 $0x3800;
	[sflag:s10] =	ssyncadd.s32 $0xFFFFF060  }
0x101: {  	[hbm4b:s2+s11] =	stream.indirect.scatter [tilespmem:s4], [sflag:$0x5], $0x1, s5, s11, $0xb8;
	[tilespmem:$0x14E00] =	vst v63  }
0x102: {  	s4 =	simm.s32 $0x200;
	_ =	swait.ge [sflag:s3], $0x80  }
.LBB2_7:
0x103: {  	s5 =	sshra.s32 s4, $0x2  }
0x104: {  	[sflag:s3] =	ssyncset.done $0x0;
	p0 =	sne.s32 s4, $0x6200;
	s6 =	sadd.s32 $0x1C00, s5  }
.Ltmp3:
0x105: {  	s5 =	sadd.s32 $0x3800, s5;
	[sflag:s3] =	ssyncadd.s32 $0xFFFFFF80;
	(pc) =	sbr.rel @p0 .LBB2_7-.Ltmp3, $3  }
0x106: {  	[hbm4b:s2+s11] =	stream.indirect.scatter [tilespmem:s6], [sflag:$0x5], $0x1, s5, s11, $0xb8;
	[tilespmem:$0x14E00] =	vst v63  }
0x107: {  	s4 =	sadd.s32 $0x200, s4;
	_ =	sdelay $0x1  }
0x108: {  	_ =	swait.ge [sflag:s3], $0x80  }
0x109: {  	s5 =	sld [smem:$0x7FB];
	_ =	sdelay $0x2  }
0x10a: {  	s4 =	rddreg [dreg:$0x13];
	s5 =	sadd.s32 $0x1, s5  }
0x10b: {  	p0 =	sne.s32 s5, s4  }
.Ltmp4:
0x10c: {  	_ = 	snop;
	(pc) =	sbr.rel @p0 .LBB2_1-.Ltmp4, $3  }
0x10d: {  	_ =	sdelay $0x1  }
0x10e: {  	[sflag:s3] =	ssyncset.done $0x0  }
0x10f: {  	[sflag:s3] =	ssyncadd.s32 $0xFFFFFF80  }
0x110: {  	_ =	sfence.sel $0x180000  }
0x111: {  	[bflag:$0x0] =	sbarrier.arrive $0xFFFF  }
0x112: {  	_ =	strace $0x90000047  }
0x113: {  	s0 =	stileid.u32;
	[bflag:$0x2] =	sbarrier.arrive $0xFFFF  }
0x114: {  	p0 =	sne.s32 s0, $0x0;
	s0 =	rddreg [dreg:$0x4]  }
0x115: {  	s0 =	sadd.s32 @!p0 $0x100000, s0  }
0x116: {  	[sflag:s0] =	ssyncadd.tile.s32 @!p0 $0x1;
	_ =	shalt  }
.Lfunc_end2:
_tile_overlayer_lowered:
.L_overlay_start_2:
0x117: {  	(tag) =	ssettag $0x2  }
0x118: {  	s0 =	rddreg [dreg:$0x0];
	s2 =	stileid.u32  }
0x119: {  	s1 =	rddreg [dreg:$0x1];
	p0 =	sne.s32 s2, $0x0  }
0x11a: {  	s3 =	rddreg [dreg:$0x2];
	[bflag:$0x3] =	sbarrier.arrive $0xFFFF;
	s2 =	simm.s32 @!p0 $0x1C05  }
0x11b: {  	[timem:s3], [sflag:s2] =	dma.local @!p0 [hbm:s0], s1  }
0x11c: {  	s0 =	simm.s32 @!p0 $0x5  }
0x11d: {  	_ =	swait.ge @!p0 [sflag:s0], s1  }
0x11e: {  	s1 =	ssub.s32 @!p0 $0x0, s1;
	[sflag:s0] =	ssyncset.done @!p0 $0x0  }
0x11f: {  	[sflag:s0] =	ssyncadd.s32 @!p0 s1  }
0x120: {  	[bflag:$0x3] =	sbarrier.arrive $0xFFFF  }
0x121: {  	_ =	shalt  }

</sc_bundles>
